<compile_context>
chip_gen: v7x
topology: tpu7x:2x2x1
jax: 0.10.2.dev20260603
libtpu: 0.0.44.dev20260713+nightly
codegen_flags: <defaults>
</compile_context>

<pallas_src>
import functools

import jax
import jax.numpy as jnp
from jax import lax
from jax.experimental import pallas as pl
from jax.experimental.pallas import tpu as pltpu
from jax.experimental.pallas import tpu_sc as plsc

_VOC0 = 100000
_INPUT_DIM = 200000
_EMB = 64
_NMODEL = 128
_NDIAG = 64
_NPROC = 32
_NCODES = _NDIAG + _NPROC
_NLAB = _NMODEL - 1
_LANES = 16
_NGROUPS = _NMODEL // _LANES
_NGATHER = 12
_CPG = _NCODES // _NGATHER


def _body(diag_h, proc_h, lab_h, wt_h, b_h, tabt_h, out_h,
          idx_v, blk_v, col_v, ssum_v, lab_v, wc_v, wl_v, bia_v, res_v,
          shr_v, sem_b, sem_l, sem_w, sem_w2, sem_s, sem_bb):
    c = lax.axis_index("c")
    s = lax.axis_index("s")
    g = c * (_NGROUPS // 2) + s
    gl = pl.multiple_of(g * _LANES, _LANES)
    cw1 = pltpu.make_async_copy(wt_h.at[pl.ds(0, _NCODES), :], wc_v, sem_w)
    cw2 = pltpu.make_async_copy(wt_h.at[pl.ds(_INPUT_DIM, _NLAB), :],
                                wl_v.at[pl.ds(0, _NLAB), :], sem_w2)
    cl = pltpu.make_async_copy(lab_h.at[0], lab_v.at[pl.ds(0, _NMODEL)],
                               sem_l)
    cb = pltpu.make_async_copy(b_h.at[pl.ds(gl, _LANES)],
                               bia_v.at[pl.ds(0, _LANES)], sem_bb)

    @pl.when(s < _NGROUPS // 2)
    def _():
        cw1.start()
        cw2.start()
        cl.start()
        cb.start()
        for q in range(_NMODEL // _LANES):
            wl_v[_NLAB, pl.ds(q * _LANES, _LANES)] = (
                jnp.zeros((_LANES,), jnp.float32))
        cb.wait()
        acc = bia_v[pl.ds(0, _LANES)]
        cw2.wait()
        cl.wait()

        def _lab8(kk, a):
            terms = [lab_v[pl.ds(kk * 8 + dd, _LANES)][0]
                     * wl_v[kk * 8 + dd, pl.ds(gl, _LANES)]
                     for dd in range(8)]
            while len(terms) > 1:
                terms = [terms[i] + terms[i + 1]
                         for i in range(0, len(terms), 2)]
            return a + terms[0]

        acc = lax.fori_loop(0, _NMODEL // 8, _lab8, acc)
        res_v[pl.ds(0, _LANES)] = acc

    @pl.when(s >= _NGROUPS // 2)
    def _():
        off = pl.multiple_of((s - _NGROUPS // 2) * _CPG, _CPG)

        @pl.when(s < _NGROUPS // 2 + _NDIAG // _CPG)
        def _():
            pltpu.sync_copy(diag_h.at[pl.ds(off, _CPG)],
                            idx_v.at[pl.ds(0, _CPG)])

        @pl.when(s >= _NGROUPS // 2 + _NDIAG // _CPG)
        def _():
            poff = pl.multiple_of((s - _NGROUPS // 2) * _CPG - _NDIAG, _CPG)
            pltpu.sync_copy(proc_h.at[pl.ds(poff, _CPG)],
                            idx_v.at[pl.ds(0, _CPG)])
            idx_v[pl.ds(0, _LANES)] = idx_v[pl.ds(0, _LANES)] + _VOC0

        def _blk_copy(m):
            i = idx_v[pl.ds(m, _LANES)][0]
            base = pl.multiple_of((i // 128) * 128, 128)
            return pltpu.make_async_copy(
                tabt_h.at[:, pl.ds(base, 128)],
                blk_v.at[m, pl.ds(0, _EMB), :], sem_b), i - base

        def _issue(m, z):
            _blk_copy(m)[0].start()
            return z

        lax.fori_loop(0, _CPG, _issue, 0)

        lane = lax.iota(jnp.int32, _LANES)

        def _gather_one(m, sums):
            blk, j = _blk_copy(m)
            blk.wait()
            def _pool8(kk, a):
                vs = [blk_v[m, kk * 8 + dd, pl.ds(j, _LANES)]
                      for dd in range(8)]
                while len(vs) > 1:
                    vs = [vs[i] + vs[i + 1] for i in range(0, len(vs), 2)]
                return a + vs[0]

            acc = lax.fori_loop(0, _EMB // 8, _pool8,
                                jnp.zeros((_LANES,), jnp.float32))
            return jnp.where(lane == m, acc[0], sums)

        sums = lax.fori_loop(0, _CPG, _gather_one,
                             jnp.zeros((_LANES,), jnp.float32))
        col_v[pl.ds(0, _LANES)] = sums
        pltpu.sync_copy(col_v.at[pl.ds(0, _CPG)], shr_v.at[pl.ds(off, _CPG)])

    plsc.subcore_barrier()

    @pl.when(s < _NGROUPS // 2)
    def _():
        cs = pltpu.async_copy(shr_v, ssum_v.at[pl.ds(0, _NMODEL)], sem_s)
        cw1.wait()
        cs.wait()
        acc = res_v[pl.ds(0, _LANES)]

        def _code8(kk, a):
            terms = [ssum_v[pl.ds(kk * 8 + dd, _LANES)][0]
                     * wc_v[kk * 8 + dd, pl.ds(gl, _LANES)]
                     for dd in range(8)]
            while len(terms) > 1:
                terms = [terms[i] + terms[i + 1]
                         for i in range(0, len(terms), 2)]
            return a + terms[0]

        acc = lax.fori_loop(0, _NCODES // 8, _code8, acc)

        res_v[pl.ds(0, _LANES)] = 1.0 / (1.0 + jnp.exp(-acc))
        pltpu.sync_copy(res_v.at[pl.ds(0, _LANES)], out_h.at[pl.ds(gl, _LANES)])


@jax.jit
def kernel(diag, proc, labels, table, W, b):
    mesh = plsc.VectorSubcoreMesh(core_axis_name="c", subcore_axis_name="s")
    run = functools.partial(
        pl.kernel,
        out_type=jax.ShapeDtypeStruct((_NMODEL,), jnp.float32),
        mesh=mesh,
        compiler_params=pltpu.CompilerParams(use_tc_tiling_on_sc=True),
        scratch_types=[
            pltpu.VMEM((2 * _LANES,), jnp.int32),
            pltpu.VMEM((_CPG, _EMB + 1, 128), jnp.float32),
            pltpu.VMEM((_LANES,), jnp.float32),
            pltpu.VMEM((_NMODEL + _LANES,), jnp.float32),
            pltpu.VMEM((_NMODEL + _LANES,), jnp.float32),
            pltpu.VMEM((_NCODES, 128), jnp.float32),
            pltpu.VMEM((_NMODEL, 128), jnp.float32),
            pltpu.VMEM((_LANES,), jnp.float32),
            pltpu.VMEM((_LANES,), jnp.float32),
            pltpu.VMEM_SHARED((_NMODEL,), jnp.float32),
            pltpu.SemaphoreType.DMA,
            pltpu.SemaphoreType.DMA,
            pltpu.SemaphoreType.DMA,
            pltpu.SemaphoreType.DMA,
            pltpu.SemaphoreType.DMA,
            pltpu.SemaphoreType.DMA,
        ],
    )(_body)
    return run(diag.astype(jnp.int32), proc.astype(jnp.int32),
               labels, W.T, b, table.T)

# --- scband reference (transcript-rebuilt; emitter-appended) ---
"""Pipeline reference for scband-classifier-chain-50259707298091 (READ-ONLY COPY).

The authoritative reference and input builder live on the scoring server;
editing this copy changes nothing except your own understanding.
"""

import jax, jax.numpy as jnp
import numpy as np

VOC0 = 100000
VOC1 = 100000
NUM_MODEL = 128
EMB = 64
INPUT_DIM = VOC0 + VOC1  # 200000
N_DIAG = 64
N_PROC = 32


def setup_inputs(seed: int = 0) -> dict:
    key = jax.random.key(seed)
    k1, k2, k3, k4, k5, k6 = jax.random.split(key, 6)
    diag = jax.random.randint(k1, (N_DIAG,), 0, VOC0)
    proc = jax.random.randint(k2, (N_PROC,), 0, VOC1)
    labels = jax.random.uniform(k3, (1, NUM_MODEL), dtype=jnp.float32)
    # embedding table with padding row (index INPUT_DIM) zeroed, matching padding_idx
    table = jax.random.normal(k4, (INPUT_DIM + 1, EMB), dtype=jnp.float32) * 0.02
    table = table.at[INPUT_DIM].set(0.0)
    # pack the NUM_MODEL chained LogisticRegression weights into one matrix.
    # Model i has input_dim = INPUT_DIM + i; rows are zero-padded beyond their
    # valid length so a single matvec on the extended input is exactly equivalent
    # to the per-model loop in the torch forward.
    wlen = INPUT_DIM + NUM_MODEL - 1
    W = jax.random.normal(k5, (NUM_MODEL, wlen), dtype=jnp.float32) * 0.01
    col = jnp.arange(wlen)[None, :]
    valid = (col < (INPUT_DIM + jnp.arange(NUM_MODEL)[:, None])).astype(jnp.float32)
    W = W * valid
    b = jax.random.normal(k6, (NUM_MODEL,), dtype=jnp.float32) * 0.01
    return {"diag": diag, "proc": proc, "labels": labels, "table": table, "W": W, "b": b}


def reference(diag, proc, labels, table, W, b):
    # build flat index list: diag codes, proc codes offset by VOC0, then pad
    # with the padding index (INPUT_DIM) up to length INPUT_DIM
    codes = jnp.concatenate([diag, proc + VOC0])
    n_pad = INPUT_DIM - (N_DIAG + N_PROC)
    pad = jnp.full((n_pad,), INPUT_DIM, dtype=codes.dtype)
    idx = jnp.concatenate([codes, pad])  # [INPUT_DIM]
    # embedding lookup (dropout skipped: deterministic reference/eval mode)
    emb = jnp.take(table, idx, axis=0)  # [INPUT_DIM, EMB]
    # torch.sum(input_all, dim=1): sum over the embedding dim -> vector [INPUT_DIM]
    x = jnp.sum(emb, axis=1)
    # chained classifiers with teacher forcing: model i sees concat(x, labels[0,:i])
    x_ext = jnp.concatenate([x, labels[0, :NUM_MODEL - 1]])  # [INPUT_DIM+NUM_MODEL-1]
    preds = jax.nn.sigmoid(W @ x_ext + b)  # [NUM_MODEL]
    return preds

if __name__ == "__main__":
    import jax
    _d = setup_inputs()
    print(jax.jit(kernel)(*tuple(_d.values())))

</pallas_src>

<mosaic_0001>
#map = affine_map<(d0, d1) -> (0)>
#map1 = affine_map<(d0, d1) -> (0, 0)>
module attributes {stable_mosaic.version = 14 : i64} {
  func.func @_body(%arg0: i32, %arg1: i32, %arg2: memref<64xi32, #tpu.memory_space<hbm>>, %arg3: memref<32xi32, #tpu.memory_space<hbm>>, %arg4: memref<1x128xf32, #tpu.memory_space<hbm>>, %arg5: memref<200127x128xf32, #tpu.memory_space<hbm>>, %arg6: memref<128xf32, #tpu.memory_space<hbm>>, %arg7: memref<64x200001xf32, #tpu.memory_space<hbm>>, %arg8: memref<128xf32, #tpu.memory_space<hbm>>, %arg9: memref<32xi32, #tpu.memory_space<vmem>>, %arg10: memref<8x65x128xf32, #tpu.memory_space<vmem>>, %arg11: memref<16xf32, #tpu.memory_space<vmem>>, %arg12: memref<144xf32, #tpu.memory_space<vmem>>, %arg13: memref<144xf32, #tpu.memory_space<vmem>>, %arg14: memref<96x128xf32, #tpu.memory_space<vmem>>, %arg15: memref<128x128xf32, #tpu.memory_space<vmem>>, %arg16: memref<16xf32, #tpu.memory_space<vmem>>, %arg17: memref<16xf32, #tpu.memory_space<vmem>>, %arg18: memref<128xf32, #tpu.memory_space<vmem_shared>>, %arg19: memref<!tpu.dma_semaphore, #tpu.memory_space<semaphore_mem>>, %arg20: memref<!tpu.dma_semaphore, #tpu.memory_space<semaphore_mem>>, %arg21: memref<!tpu.dma_semaphore, #tpu.memory_space<semaphore_mem>>, %arg22: memref<!tpu.dma_semaphore, #tpu.memory_space<semaphore_mem>>, %arg23: memref<!tpu.dma_semaphore, #tpu.memory_space<semaphore_mem>>, %arg24: memref<!tpu.dma_semaphore, #tpu.memory_space<semaphore_mem>>) attributes {dimension_semantics = [#tpu.dimension_semantics<core_parallel>, #tpu.dimension_semantics<subcore_parallel>], iteration_bounds = array<i64: 2, 16>, scalar_prefetch = 0 : i64, scratch_operands = 16 : i64, tpu.core_type = #tpu.core_type<sc_vector_subcore>, window_params = [{transform_indices = #map}, {transform_indices = #map}, {transform_indices = #map1}, {transform_indices = #map1}, {transform_indices = #map}, {transform_indices = #map1}, {transform_indices = #map}]} {
    %mul3A = arith.constant 4 : i32
    %mul3A_0 = arith.muli %arg0, %mul3A : i32
    %add3A = arith.addi %mul3A_0, %arg1 : i32
    %mul3A_1 = arith.constant 16 : i32
    %mul3A_2 = arith.muli %add3A, %mul3A_1 : i32
    %multiple_of3A = tpu.assume_multiple %mul3A_2, 16 : i32
    %lt3A = arith.constant 4 : i32
    %lt3A_3 = arith.cmpi slt, %arg1, %lt3A : i32
    %convert_element_type3A = arith.extui %lt3A_3 : i1 to i32
    %cond3A = arith.constant 0 : i32
    %cond3A_4 = arith.constant 0 : i32
    %cond3A_5 = arith.cmpi ne, %convert_element_type3A, %cond3A_4 : i32
    scf.if %cond3A_5 {
      %dma_start3A = arith.constant 0 : i32
      %dma_start3A_15 = arith.constant 0 : i32
      %dma_start3A_16 = tpu.memref_slice %arg5[%dma_start3A, %dma_start3A_15] : memref<200127x128xf32, #tpu.memory_space<hbm>> -> memref<96x128xf32, #tpu.memory_space<hbm>>
      %dma_start3A_17 = arith.constant 0 : i32
      %dma_start3A_18 = arith.constant 0 : i32
      %dma_start3A_19 = tpu.memref_slice %arg5[%dma_start3A_17, %dma_start3A_18] : memref<200127x128xf32, #tpu.memory_space<hbm>> -> memref<96x128xf32, #tpu.memory_space<hbm>>
      tpu.enqueue_dma source(%dma_start3A_19 : memref<96x128xf32, #tpu.memory_space<hbm>>) target(%arg14 : memref<96x128xf32, #tpu.memory_space<vmem>>) target_semaphore(%arg21 : memref<!tpu.dma_semaphore, #tpu.memory_space<semaphore_mem>>)
      %dma_start3A_20 = arith.constant 0 : i32
      %dma_start3A_21 = arith.constant 0 : i32
      %dma_start3A_22 = tpu.memref_slice %arg15[%dma_start3A_20, %dma_start3A_21] : memref<128x128xf32, #tpu.memory_space<vmem>> -> memref<127x128xf32, #tpu.memory_space<vmem>>
      %dma_start3A_23 = arith.constant 200000 : i32
      %dma_start3A_24 = arith.constant 0 : i32
      %dma_start3A_25 = tpu.memref_slice %arg5[%dma_start3A_23, %dma_start3A_24] : memref<200127x128xf32, #tpu.memory_space<hbm>> -> memref<127x128xf32, #tpu.memory_space<hbm>>
      %dma_start3A_26 = arith.constant 0 : i32
      %dma_start3A_27 = arith.constant 0 : i32
      %dma_start3A_28 = tpu.memref_slice %arg15[%dma_start3A_26, %dma_start3A_27] : memref<128x128xf32, #tpu.memory_space<vmem>> -> memref<127x128xf32, #tpu.memory_space<vmem>>
      %dma_start3A_29 = arith.constant 200000 : i32
      %dma_start3A_30 = arith.constant 0 : i32
      %dma_start3A_31 = tpu.memref_slice %arg5[%dma_start3A_29, %dma_start3A_30] : memref<200127x128xf32, #tpu.memory_space<hbm>> -> memref<127x128xf32, #tpu.memory_space<hbm>>
      tpu.enqueue_dma source(%dma_start3A_31 : memref<127x128xf32, #tpu.memory_space<hbm>>) target(%dma_start3A_28 : memref<127x128xf32, #tpu.memory_space<vmem>>) target_semaphore(%arg22 : memref<!tpu.dma_semaphore, #tpu.memory_space<semaphore_mem>>)
      %dma_start3A_32 = arith.constant 0 : i32
      %dma_start3A_33 = tpu.memref_slice %arg13[%dma_start3A_32] : memref<144xf32, #tpu.memory_space<vmem>> -> memref<128xf32, #tpu.memory_space<vmem>>
      %dma_start3A_34 = arith.constant 0 : i32
      %dma_start3A_35 = tpu.memref_slice %arg4[%cond3A, %dma_start3A_34] : memref<1x128xf32, #tpu.memory_space<hbm>> -> memref<1x128xf32, #tpu.memory_space<hbm>>
      %dma_start3A_36 = tpu.memref_squeeze %dma_start3A_35 : memref<1x128xf32, #tpu.memory_space<hbm>> -> memref<128xf32, #tpu.memory_space<hbm>>
      %dma_start3A_37 = arith.constant 0 : i32
      %dma_start3A_38 = tpu.memref_slice %arg13[%dma_start3A_37] : memref<144xf32, #tpu.memory_space<vmem>> -> memref<128xf32, #tpu.memory_space<vmem>>
      %dma_start3A_39 = arith.constant 0 : i32
      %dma_start3A_40 = tpu.memref_slice %arg4[%cond3A, %dma_start3A_39] : memref<1x128xf32, #tpu.memory_space<hbm>> -> memref<1x128xf32, #tpu.memory_space<hbm>>
      %dma_start3A_41 = tpu.memref_squeeze %dma_start3A_40 : memref<1x128xf32, #tpu.memory_space<hbm>> -> memref<128xf32, #tpu.memory_space<hbm>>
      tpu.enqueue_dma source(%dma_start3A_41 : memref<128xf32, #tpu.memory_space<hbm>>) target(%dma_start3A_38 : memref<128xf32, #tpu.memory_space<vmem>>) target_semaphore(%arg20 : memref<!tpu.dma_semaphore, #tpu.memory_space<semaphore_mem>>)
      %dma_start3A_42 = arith.constant 0 : i32
      %dma_start3A_43 = tpu.memref_slice %arg16[%dma_start3A_42] : memref<16xf32, #tpu.memory_space<vmem>> -> memref<16xf32, #tpu.memory_space<vmem>>
      %dma_start3A_44 = tpu.memref_slice %arg6[%multiple_of3A] : memref<128xf32, #tpu.memory_space<hbm>> -> memref<16xf32, #tpu.memory_space<hbm>>
      %dma_start3A_45 = arith.constant 0 : i32
      %dma_start3A_46 = tpu.memref_slice %arg16[%dma_start3A_45] : memref<16xf32, #tpu.memory_space<vmem>> -> memref<16xf32, #tpu.memory_space<vmem>>
      %dma_start3A_47 = tpu.memref_slice %arg6[%multiple_of3A] : memref<128xf32, #tpu.memory_space<hbm>> -> memref<16xf32, #tpu.memory_space<hbm>>
      tpu.enqueue_dma source(%dma_start3A_47 : memref<16xf32, #tpu.memory_space<hbm>>) target(%dma_start3A_46 : memref<16xf32, #tpu.memory_space<vmem>>) target_semaphore(%arg24 : memref<!tpu.dma_semaphore, #tpu.memory_space<semaphore_mem>>)
      %broadcast_in_dim3A = arith.constant 0.000000e+00 : f32
      %broadcast_in_dim3A_48 = vector.broadcast %broadcast_in_dim3A : f32 to vector<16xf32>
      %swap3A = arith.constant 127 : i32
      %swap3A_49 = arith.index_cast %swap3A : i32 to index
      %swap3A_50 = arith.constant 0 : index
      %swap3A_51 = tpu.vector_load %arg15[%swap3A_49, %swap3A_50] {strides = array<i32>} : memref<128x128xf32, #tpu.memory_space<vmem>>, vector<1x16xf32>,
      %swap3A_52 = vector.shape_cast %swap3A_51 : vector<1x16xf32> to vector<16xf32>
      %swap3A_53 = vector.shape_cast %broadcast_in_dim3A_48 : vector<16xf32> to vector<1x16xf32>
      tpu.vector_store %arg15[%swap3A_49, %swap3A_50], %swap3A_53 {strides = array<i32>} : memref<128x128xf32, #tpu.memory_space<vmem>>, vector<1x16xf32>,
      %broadcast_in_dim3A_54 = arith.constant 0.000000e+00 : f32
      %broadcast_in_dim3A_55 = vector.broadcast %broadcast_in_dim3A_54 : f32 to vector<16xf32>
      %swap3A_56 = arith.constant 127 : i32
      %swap3A_57 = arith.index_cast %swap3A_56 : i32 to index
      %swap3A_58 = arith.constant 16 : index
      %swap3A_59 = tpu.vector_load %arg15[%swap3A_57, %swap3A_58] {strides = array<i32>} : memref<128x128xf32, #tpu.memory_space<vmem>>, vector<1x16xf32>,
      %swap3A_60 = vector.shape_cast %swap3A_59 : vector<1x16xf32> to vector<16xf32>
      %swap3A_61 = vector.shape_cast %broadcast_in_dim3A_55 : vector<16xf32> to vector<1x16xf32>
      tpu.vector_store %arg15[%swap3A_57, %swap3A_58], %swap3A_61 {strides = array<i32>} : memref<128x128xf32, #tpu.memory_space<vmem>>, vector<1x16xf32>,
      %broadcast_in_dim3A_62 = arith.constant 0.000000e+00 : f32
      %broadcast_in_dim3A_63 = vector.broadcast %broadcast_in_dim3A_62 : f32 to vector<16xf32>
      %swap3A_64 = arith.constant 127 : i32
      %swap3A_65 = arith.index_cast %swap3A_64 : i32 to index
      %swap3A_66 = arith.constant 32 : index
      %swap3A_67 = tpu.vector_load %arg15[%swap3A_65, %swap3A_66] {strides = array<i32>} : memref<128x128xf32, #tpu.memory_space<vmem>>, vector<1x16xf32>,
      %swap3A_68 = vector.shape_cast %swap3A_67 : vector<1x16xf32> to vector<16xf32>
      %swap3A_69 = vector.shape_cast %broadcast_in_dim3A_63 : vector<16xf32> to vector<1x16xf32>
      tpu.vector_store %arg15[%swap3A_65, %swap3A_66], %swap3A_69 {strides = array<i32>} : memref<128x128xf32, #tpu.memory_space<vmem>>, vector<1x16xf32>,
      %broadcast_in_dim3A_70 = arith.constant 0.000000e+00 : f32
      %broadcast_in_dim3A_71 = vector.broadcast %broadcast_in_dim3A_70 : f32 to vector<16xf32>
      %swap3A_72 = arith.constant 127 : i32
      %swap3A_73 = arith.index_cast %swap3A_72 : i32 to index
      %swap3A_74 = arith.constant 48 : index
      %swap3A_75 = tpu.vector_load %arg15[%swap3A_73, %swap3A_74] {strides = array<i32>} : memref<128x128xf32, #tpu.memory_space<vmem>>, vector<1x16xf32>,
      %swap3A_76 = vector.shape_cast %swap3A_75 : vector<1x16xf32> to vector<16xf32>
      %swap3A_77 = vector.shape_cast %broadcast_in_dim3A_71 : vector<16xf32> to vector<1x16xf32>
      tpu.vector_store %arg15[%swap3A_73, %swap3A_74], %swap3A_77 {strides = array<i32>} : memref<128x128xf32, #tpu.memory_space<vmem>>, vector<1x16xf32>,
      %broadcast_in_dim3A_78 = arith.constant 0.000000e+00 : f32
      %broadcast_in_dim3A_79 = vector.broadcast %broadcast_in_dim3A_78 : f32 to vector<16xf32>
      %swap3A_80 = arith.constant 127 : i32
      %swap3A_81 = arith.index_cast %swap3A_80 : i32 to index
      %swap3A_82 = arith.constant 64 : index
      %swap3A_83 = tpu.vector_load %arg15[%swap3A_81, %swap3A_82] {strides = array<i32>} : memref<128x128xf32, #tpu.memory_space<vmem>>, vector<1x16xf32>,
      %swap3A_84 = vector.shape_cast %swap3A_83 : vector<1x16xf32> to vector<16xf32>
      %swap3A_85 = vector.shape_cast %broadcast_in_dim3A_79 : vector<16xf32> to vector<1x16xf32>
      tpu.vector_store %arg15[%swap3A_81, %swap3A_82], %swap3A_85 {strides = array<i32>} : memref<128x128xf32, #tpu.memory_space<vmem>>, vector<1x16xf32>,
      %broadcast_in_dim3A_86 = arith.constant 0.000000e+00 : f32
      %broadcast_in_dim3A_87 = vector.broadcast %broadcast_in_dim3A_86 : f32 to vector<16xf32>
      %swap3A_88 = arith.constant 127 : i32
      %swap3A_89 = arith.index_cast %swap3A_88 : i32 to index
      %swap3A_90 = arith.constant 80 : index
      %swap3A_91 = tpu.vector_load %arg15[%swap3A_89, %swap3A_90] {strides = array<i32>} : memref<128x128xf32, #tpu.memory_space<vmem>>, vector<1x16xf32>,
      %swap3A_92 = vector.shape_cast %swap3A_91 : vector<1x16xf32> to vector<16xf32>
      %swap3A_93 = vector.shape_cast %broadcast_in_dim3A_87 : vector<16xf32> to vector<1x16xf32>
      tpu.vector_store %arg15[%swap3A_89, %swap3A_90], %swap3A_93 {strides = array<i32>} : memref<128x128xf32, #tpu.memory_space<vmem>>, vector<1x16xf32>,
      %broadcast_in_dim3A_94 = arith.constant 0.000000e+00 : f32
      %broadcast_in_dim3A_95 = vector.broadcast %broadcast_in_dim3A_94 : f32 to vector<16xf32>
      %swap3A_96 = arith.constant 127 : i32
      %swap3A_97 = arith.index_cast %swap3A_96 : i32 to index
      %swap3A_98 = arith.constant 96 : index
      %swap3A_99 = tpu.vector_load %arg15[%swap3A_97, %swap3A_98] {strides = array<i32>} : memref<128x128xf32, #tpu.memory_space<vmem>>, vector<1x16xf32>,
      %swap3A_100 = vector.shape_cast %swap3A_99 : vector<1x16xf32> to vector<16xf32>
      %swap3A_101 = vector.shape_cast %broadcast_in_dim3A_95 : vector<16xf32> to vector<1x16xf32>
      tpu.vector_store %arg15[%swap3A_97, %swap3A_98], %swap3A_101 {strides = array<i32>} : memref<128x128xf32, #tpu.memory_space<vmem>>, vector<1x16xf32>,
      %broadcast_in_dim3A_102 = arith.constant 0.000000e+00 : f32
      %broadcast_in_dim3A_103 = vector.broadcast %broadcast_in_dim3A_102 : f32 to vector<16xf32>
      %swap3A_104 = arith.constant 127 : i32
      %swap3A_105 = arith.index_cast %swap3A_104 : i32 to index
      %swap3A_106 = arith.constant 112 : index
      %swap3A_107 = tpu.vector_load %arg15[%swap3A_105, %swap3A_106] {strides = array<i32>} : memref<128x128xf32, #tpu.memory_space<vmem>>, vector<1x16xf32>,
      %swap3A_108 = vector.shape_cast %swap3A_107 : vector<1x16xf32> to vector<16xf32>
      %swap3A_109 = vector.shape_cast %broadcast_in_dim3A_103 : vector<16xf32> to vector<1x16xf32>
      tpu.vector_store %arg15[%swap3A_105, %swap3A_106], %swap3A_109 {strides = array<i32>} : memref<128x128xf32, #tpu.memory_space<vmem>>, vector<1x16xf32>,
      %dma_wait3A = arith.constant 0 : i32
      %dma_wait3A_110 = tpu.memref_slice %arg16[%dma_wait3A] : memref<16xf32, #tpu.memory_space<vmem>> -> memref<16xf32, #tpu.memory_space<vmem>>
      %dma_wait3A_111 = tpu.memref_slice %arg6[%multiple_of3A] : memref<128xf32, #tpu.memory_space<hbm>> -> memref<16xf32, #tpu.memory_space<hbm>>
      %dma_wait3A_112 = arith.constant 0 : i32
      %dma_wait3A_113 = tpu.memref_slice %arg16[%dma_wait3A_112] : memref<16xf32, #tpu.memory_space<vmem>> -> memref<16xf32, #tpu.memory_space<vmem>>
      %dma_wait3A_114 = tpu.memref_slice %arg6[%multiple_of3A] : memref<128xf32, #tpu.memory_space<hbm>> -> memref<16xf32, #tpu.memory_space<hbm>>
      tpu.wait_dma2 semaphore(%arg24 : memref<!tpu.dma_semaphore, #tpu.memory_space<semaphore_mem>>) src(%dma_wait3A_114 : memref<16xf32, #tpu.memory_space<hbm>>) dst(%dma_wait3A_113 : memref<16xf32, #tpu.memory_space<vmem>>)
      %get3A = arith.constant 0 : index
      %get3A_115 = tpu.vector_load %arg16[%get3A] {strides = array<i32>} : memref<16xf32, #tpu.memory_space<vmem>>, vector<16xf32>,
      %get3A_116 = vector.shape_cast %get3A_115 : vector<16xf32> to vector<16xf32>
      %dma_wait3A_117 = arith.constant 0 : i32
      %dma_wait3A_118 = arith.constant 0 : i32
      %dma_wait3A_119 = tpu.memref_slice %arg15[%dma_wait3A_117, %dma_wait3A_118] : memref<128x128xf32, #tpu.memory_space<vmem>> -> memref<127x128xf32, #tpu.memory_space<vmem>>
      %dma_wait3A_120 = arith.constant 200000 : i32
      %dma_wait3A_121 = arith.constant 0 : i32
      %dma_wait3A_122 = tpu.memref_slice %arg5[%dma_wait3A_120, %dma_wait3A_121] : memref<200127x128xf32, #tpu.memory_space<hbm>> -> memref<127x128xf32, #tpu.memory_space<hbm>>
      %dma_wait3A_123 = arith.constant 0 : i32
      %dma_wait3A_124 = arith.constant 0 : i32
      %dma_wait3A_125 = tpu.memref_slice %arg15[%dma_wait3A_123, %dma_wait3A_124] : memref<128x128xf32, #tpu.memory_space<vmem>> -> memref<127x128xf32, #tpu.memory_space<vmem>>
      %dma_wait3A_126 = arith.constant 200000 : i32
      %dma_wait3A_127 = arith.constant 0 : i32
      %dma_wait3A_128 = tpu.memref_slice %arg5[%dma_wait3A_126, %dma_wait3A_127] : memref<200127x128xf32, #tpu.memory_space<hbm>> -> memref<127x128xf32, #tpu.memory_space<hbm>>
      tpu.wait_dma2 semaphore(%arg22 : memref<!tpu.dma_semaphore, #tpu.memory_space<semaphore_mem>>) src(%dma_wait3A_128 : memref<127x128xf32, #tpu.memory_space<hbm>>) dst(%dma_wait3A_125 : memref<127x128xf32, #tpu.memory_space<vmem>>)
      %dma_wait3A_129 = arith.constant 0 : i32
      %dma_wait3A_130 = tpu.memref_slice %arg13[%dma_wait3A_129] : memref<144xf32, #tpu.memory_space<vmem>> -> memref<128xf32, #tpu.memory_space<vmem>>
      %dma_wait3A_131 = arith.constant 0 : i32
      %dma_wait3A_132 = tpu.memref_slice %arg4[%cond3A, %dma_wait3A_131] : memref<1x128xf32, #tpu.memory_space<hbm>> -> memref<1x128xf32, #tpu.memory_space<hbm>>
      %dma_wait3A_133 = tpu.memref_squeeze %dma_wait3A_132 : memref<1x128xf32, #tpu.memory_space<hbm>> -> memref<128xf32, #tpu.memory_space<hbm>>
      %dma_wait3A_134 = arith.constant 0 : i32
      %dma_wait3A_135 = tpu.memref_slice %arg13[%dma_wait3A_134] : memref<144xf32, #tpu.memory_space<vmem>> -> memref<128xf32, #tpu.memory_space<vmem>>
      %dma_wait3A_136 = arith.constant 0 : i32
      %dma_wait3A_137 = tpu.memref_slice %arg4[%cond3A, %dma_wait3A_136] : memref<1x128xf32, #tpu.memory_space<hbm>> -> memref<1x128xf32, #tpu.memory_space<hbm>>
      %dma_wait3A_138 = tpu.memref_squeeze %dma_wait3A_137 : memref<1x128xf32, #tpu.memory_space<hbm>> -> memref<128xf32, #tpu.memory_space<hbm>>
      tpu.wait_dma2 semaphore(%arg20 : memref<!tpu.dma_semaphore, #tpu.memory_space<semaphore_mem>>) src(%dma_wait3A_138 : memref<128xf32, #tpu.memory_space<hbm>>) dst(%dma_wait3A_135 : memref<128xf32, #tpu.memory_space<vmem>>)
      %scan3A = arith.constant 0 : i32
      %scan3A_139 = arith.constant 16 : i32
      %scan3A_140 = arith.addi %scan3A, %scan3A_139 : i32
      %scan3A_141 = arith.constant 1 : i32
      %scan3A_142 = scf.for %scan3A_148 = %scan3A to %scan3A_140 step %scan3A_141 iter_args(%scan3A_149 = %get3A_116) -> (vector<16xf32>)  : i32 {
        %mul3A_150 = arith.constant 8 : i32
        %mul3A_151 = arith.muli %scan3A_148, %mul3A_150 : i32
        %add3A_152 = arith.constant 0 : i32
        %add3A_153 = arith.addi %mul3A_151, %add3A_152 : i32
        %get3A_154 = arith.index_cast %add3A_153 : i32 to index
        %get3A_155 = tpu.vector_load %arg13[%get3A_154] {strides = array<i32>} : memref<144xf32, #tpu.memory_space<vmem>>, vector<16xf32>,
        %get3A_156 = vector.shape_cast %get3A_155 : vector<16xf32> to vector<16xf32>
        %slice3A = vector.extract_strided_slice %get3A_156 {offsets = [0], sizes = [1], strides = [1]} : vector<16xf32> to vector<1xf32>
        %squeeze3A = vector.extract %slice3A[0] : f32 from vector<1xf32>
        %mul3A_157 = arith.constant 8 : i32
        %mul3A_158 = arith.muli %scan3A_148, %mul3A_157 : i32
        %add3A_159 = arith.constant 0 : i32
        %add3A_160 = arith.addi %mul3A_158, %add3A_159 : i32
        %get3A_161 = arith.index_cast %add3A_160 : i32 to index
        %get3A_162 = arith.index_cast %multiple_of3A : i32 to index
        %get3A_163 = tpu.vector_load %arg15[%get3A_161, %get3A_162] {strides = array<i32>} : memref<128x128xf32, #tpu.memory_space<vmem>>, vector<1x16xf32>,
        %get3A_164 = vector.shape_cast %get3A_163 : vector<1x16xf32> to vector<16xf32>
        %mul3A_165 = vector.broadcast %squeeze3A : f32 to vector<16xf32>
        %mul3A_166 = arith.mulf %mul3A_165, %get3A_164 : vector<16xf32>
        %mul3A_167 = arith.constant 8 : i32
        %mul3A_168 = arith.muli %scan3A_148, %mul3A_167 : i32
        %add3A_169 = arith.constant 1 : i32
        %add3A_170 = arith.addi %mul3A_168, %add3A_169 : i32
        %get3A_171 = arith.index_cast %add3A_170 : i32 to index
        %get3A_172 = tpu.vector_load %arg13[%get3A_171] {strides = array<i32>} : memref<144xf32, #tpu.memory_space<vmem>>, vector<16xf32>,
        %get3A_173 = vector.shape_cast %get3A_172 : vector<16xf32> to vector<16xf32>
        %slice3A_174 = vector.extract_strided_slice %get3A_173 {offsets = [0], sizes = [1], strides = [1]} : vector<16xf32> to vector<1xf32>
        %squeeze3A_175 = vector.extract %slice3A_174[0] : f32 from vector<1xf32>
        %mul3A_176 = arith.constant 8 : i32
        %mul3A_177 = arith.muli %scan3A_148, %mul3A_176 : i32
        %add3A_178 = arith.constant 1 : i32
        %add3A_179 = arith.addi %mul3A_177, %add3A_178 : i32
        %get3A_180 = arith.index_cast %add3A_179 : i32 to index
        %get3A_181 = arith.index_cast %multiple_of3A : i32 to index
        %get3A_182 = tpu.vector_load %arg15[%get3A_180, %get3A_181] {strides = array<i32>} : memref<128x128xf32, #tpu.memory_space<vmem>>, vector<1x16xf32>,
        %get3A_183 = vector.shape_cast %get3A_182 : vector<1x16xf32> to vector<16xf32>
        %mul3A_184 = vector.broadcast %squeeze3A_175 : f32 to vector<16xf32>
        %mul3A_185 = arith.mulf %mul3A_184, %get3A_183 : vector<16xf32>
        %mul3A_186 = arith.constant 8 : i32
        %mul3A_187 = arith.muli %scan3A_148, %mul3A_186 : i32
        %add3A_188 = arith.constant 2 : i32
        %add3A_189 = arith.addi %mul3A_187, %add3A_188 : i32
        %get3A_190 = arith.index_cast %add3A_189 : i32 to index
        %get3A_191 = tpu.vector_load %arg13[%get3A_190] {strides = array<i32>} : memref<144xf32, #tpu.memory_space<vmem>>, vector<16xf32>,
        %get3A_192 = vector.shape_cast %get3A_191 : vector<16xf32> to vector<16xf32>
        %slice3A_193 = vector.extract_strided_slice %get3A_192 {offsets = [0], sizes = [1], strides = [1]} : vector<16xf32> to vector<1xf32>
        %squeeze3A_194 = vector.extract %slice3A_193[0] : f32 from vector<1xf32>
        %mul3A_195 = arith.constant 8 : i32
        %mul3A_196 = arith.muli %scan3A_148, %mul3A_195 : i32
        %add3A_197 = arith.constant 2 : i32
        %add3A_198 = arith.addi %mul3A_196, %add3A_197 : i32
        %get3A_199 = arith.index_cast %add3A_198 : i32 to index
        %get3A_200 = arith.index_cast %multiple_of3A : i32 to index
        %get3A_201 = tpu.vector_load %arg15[%get3A_199, %get3A_200] {strides = array<i32>} : memref<128x128xf32, #tpu.memory_space<vmem>>, vector<1x16xf32>,
        %get3A_202 = vector.shape_cast %get3A_201 : vector<1x16xf32> to vector<16xf32>
        %mul3A_203 = vector.broadcast %squeeze3A_194 : f32 to vector<16xf32>
        %mul3A_204 = arith.mulf %mul3A_203, %get3A_202 : vector<16xf32>
        %mul3A_205 = arith.constant 8 : i32
        %mul3A_206 = arith.muli %scan3A_148, %mul3A_205 : i32
        %add3A_207 = arith.constant 3 : i32
        %add3A_208 = arith.addi %mul3A_206, %add3A_207 : i32
        %get3A_209 = arith.index_cast %add3A_208 : i32 to index
        %get3A_210 = tpu.vector_load %arg13[%get3A_209] {strides = array<i32>} : memref<144xf32, #tpu.memory_space<vmem>>, vector<16xf32>,
        %get3A_211 = vector.shape_cast %get3A_210 : vector<16xf32> to vector<16xf32>
        %slice3A_212 = vector.extract_strided_slice %get3A_211 {offsets = [0], sizes = [1], strides = [1]} : vector<16xf32> to vector<1xf32>
        %squeeze3A_213 = vector.extract %slice3A_212[0] : f32 from vector<1xf32>
        %mul3A_214 = arith.constant 8 : i32
        %mul3A_215 = arith.muli %scan3A_148, %mul3A_214 : i32
        %add3A_216 = arith.constant 3 : i32
        %add3A_217 = arith.addi %mul3A_215, %add3A_216 : i32
        %get3A_218 = arith.index_cast %add3A_217 : i32 to index
        %get3A_219 = arith.index_cast %multiple_of3A : i32 to index
        %get3A_220 = tpu.vector_load %arg15[%get3A_218, %get3A_219] {strides = array<i32>} : memref<128x128xf32, #tpu.memory_space<vmem>>, vector<1x16xf32>,
        %get3A_221 = vector.shape_cast %get3A_220 : vector<1x16xf32> to vector<16xf32>
        %mul3A_222 = vector.broadcast %squeeze3A_213 : f32 to vector<16xf32>
        %mul3A_223 = arith.mulf %mul3A_222, %get3A_221 : vector<16xf32>
        %mul3A_224 = arith.constant 8 : i32
        %mul3A_225 = arith.muli %scan3A_148, %mul3A_224 : i32
        %add3A_226 = arith.constant 4 : i32
        %add3A_227 = arith.addi %mul3A_225, %add3A_226 : i32
        %get3A_228 = arith.index_cast %add3A_227 : i32 to index
        %get3A_229 = tpu.vector_load %arg13[%get3A_228] {strides = array<i32>} : memref<144xf32, #tpu.memory_space<vmem>>, vector<16xf32>,
        %get3A_230 = vector.shape_cast %get3A_229 : vector<16xf32> to vector<16xf32>
        %slice3A_231 = vector.extract_strided_slice %get3A_230 {offsets = [0], sizes = [1], strides = [1]} : vector<16xf32> to vector<1xf32>
        %squeeze3A_232 = vector.extract %slice3A_231[0] : f32 from vector<1xf32>
        %mul3A_233 = arith.constant 8 : i32
        %mul3A_234 = arith.muli %scan3A_148, %mul3A_233 : i32
        %add3A_235 = arith.constant 4 : i32
        %add3A_236 = arith.addi %mul3A_234, %add3A_235 : i32
        %get3A_237 = arith.index_cast %add3A_236 : i32 to index
        %get3A_238 = arith.index_cast %multiple_of3A : i32 to index
        %get3A_239 = tpu.vector_load %arg15[%get3A_237, %get3A_238] {strides = array<i32>} : memref<128x128xf32, #tpu.memory_space<vmem>>, vector<1x16xf32>,
        %get3A_240 = vector.shape_cast %get3A_239 : vector<1x16xf32> to vector<16xf32>
        %mul3A_241 = vector.broadcast %squeeze3A_232 : f32 to vector<16xf32>
        %mul3A_242 = arith.mulf %mul3A_241, %get3A_240 : vector<16xf32>
        %mul3A_243 = arith.constant 8 : i32
        %mul3A_244 = arith.muli %scan3A_148, %mul3A_243 : i32
        %add3A_245 = arith.constant 5 : i32
        %add3A_246 = arith.addi %mul3A_244, %add3A_245 : i32
        %get3A_247 = arith.index_cast %add3A_246 : i32 to index
        %get3A_248 = tpu.vector_load %arg13[%get3A_247] {strides = array<i32>} : memref<144xf32, #tpu.memory_space<vmem>>, vector<16xf32>,
        %get3A_249 = vector.shape_cast %get3A_248 : vector<16xf32> to vector<16xf32>
        %slice3A_250 = vector.extract_strided_slice %get3A_249 {offsets = [0], sizes = [1], strides = [1]} : vector<16xf32> to vector<1xf32>
        %squeeze3A_251 = vector.extract %slice3A_250[0] : f32 from vector<1xf32>
        %mul3A_252 = arith.constant 8 : i32
        %mul3A_253 = arith.muli %scan3A_148, %mul3A_252 : i32
        %add3A_254 = arith.constant 5 : i32
        %add3A_255 = arith.addi %mul3A_253, %add3A_254 : i32
        %get3A_256 = arith.index_cast %add3A_255 : i32 to index
        %get3A_257 = arith.index_cast %multiple_of3A : i32 to index
        %get3A_258 = tpu.vector_load %arg15[%get3A_256, %get3A_257] {strides = array<i32>} : memref<128x128xf32, #tpu.memory_space<vmem>>, vector<1x16xf32>,
        %get3A_259 = vector.shape_cast %get3A_258 : vector<1x16xf32> to vector<16xf32>
        %mul3A_260 = vector.broadcast %squeeze3A_251 : f32 to vector<16xf32>
        %mul3A_261 = arith.mulf %mul3A_260, %get3A_259 : vector<16xf32>
        %mul3A_262 = arith.constant 8 : i32
        %mul3A_263 = arith.muli %scan3A_148, %mul3A_262 : i32
        %add3A_264 = arith.constant 6 : i32
        %add3A_265 = arith.addi %mul3A_263, %add3A_264 : i32
        %get3A_266 = arith.index_cast %add3A_265 : i32 to index
        %get3A_267 = tpu.vector_load %arg13[%get3A_266] {strides = array<i32>} : memref<144xf32, #tpu.memory_space<vmem>>, vector<16xf32>,
        %get3A_268 = vector.shape_cast %get3A_267 : vector<16xf32> to vector<16xf32>
        %slice3A_269 = vector.extract_strided_slice %get3A_268 {offsets = [0], sizes = [1], strides = [1]} : vector<16xf32> to vector<1xf32>
        %squeeze3A_270 = vector.extract %slice3A_269[0] : f32 from vector<1xf32>
        %mul3A_271 = arith.constant 8 : i32
        %mul3A_272 = arith.muli %scan3A_148, %mul3A_271 : i32
        %add3A_273 = arith.constant 6 : i32
        %add3A_274 = arith.addi %mul3A_272, %add3A_273 : i32
        %get3A_275 = arith.index_cast %add3A_274 : i32 to index
        %get3A_276 = arith.index_cast %multiple_of3A : i32 to index
        %get3A_277 = tpu.vector_load %arg15[%get3A_275, %get3A_276] {strides = array<i32>} : memref<128x128xf32, #tpu.memory_space<vmem>>, vector<1x16xf32>,
        %get3A_278 = vector.shape_cast %get3A_277 : vector<1x16xf32> to vector<16xf32>
        %mul3A_279 = vector.broadcast %squeeze3A_270 : f32 to vector<16xf32>
        %mul3A_280 = arith.mulf %mul3A_279, %get3A_278 : vector<16xf32>
        %mul3A_281 = arith.constant 8 : i32
        %mul3A_282 = arith.muli %scan3A_148, %mul3A_281 : i32
        %add3A_283 = arith.constant 7 : i32
        %add3A_284 = arith.addi %mul3A_282, %add3A_283 : i32
        %get3A_285 = arith.index_cast %add3A_284 : i32 to index
        %get3A_286 = tpu.vector_load %arg13[%get3A_285] {strides = array<i32>} : memref<144xf32, #tpu.memory_space<vmem>>, vector<16xf32>,
        %get3A_287 = vector.shape_cast %get3A_286 : vector<16xf32> to vector<16xf32>
        %slice3A_288 = vector.extract_strided_slice %get3A_287 {offsets = [0], sizes = [1], strides = [1]} : vector<16xf32> to vector<1xf32>
        %squeeze3A_289 = vector.extract %slice3A_288[0] : f32 from vector<1xf32>
        %mul3A_290 = arith.constant 8 : i32
        %mul3A_291 = arith.muli %scan3A_148, %mul3A_290 : i32
        %add3A_292 = arith.constant 7 : i32
        %add3A_293 = arith.addi %mul3A_291, %add3A_292 : i32
        %get3A_294 = arith.index_cast %add3A_293 : i32 to index
        %get3A_295 = arith.index_cast %multiple_of3A : i32 to index
        %get3A_296 = tpu.vector_load %arg15[%get3A_294, %get3A_295] {strides = array<i32>} : memref<128x128xf32, #tpu.memory_space<vmem>>, vector<1x16xf32>,
        %get3A_297 = vector.shape_cast %get3A_296 : vector<1x16xf32> to vector<16xf32>
        %mul3A_298 = vector.broadcast %squeeze3A_289 : f32 to vector<16xf32>
        %mul3A_299 = arith.mulf %mul3A_298, %get3A_297 : vector<16xf32>
        %add3A_300 = arith.addf %mul3A_166, %mul3A_185 : vector<16xf32>
        %add3A_301 = arith.addf %mul3A_204, %mul3A_223 : vector<16xf32>
        %add3A_302 = arith.addf %mul3A_242, %mul3A_261 : vector<16xf32>
        %add3A_303 = arith.addf %mul3A_280, %mul3A_299 : vector<16xf32>
        %add3A_304 = arith.addf %add3A_300, %add3A_301 : vector<16xf32>
        %add3A_305 = arith.addf %add3A_302, %add3A_303 : vector<16xf32>
        %add3A_306 = arith.addf %add3A_304, %add3A_305 : vector<16xf32>
        %add3A_307 = arith.addf %scan3A_149, %add3A_306 : vector<16xf32>
        scf.yield %add3A_307 : vector<16xf32>
      }
      %scan3A_143 = arith.constant 16 : i32
      %swap3A_144 = arith.constant 0 : index
      %swap3A_145 = tpu.vector_load %arg17[%swap3A_144] {strides = array<i32>} : memref<16xf32, #tpu.memory_space<vmem>>, vector<16xf32>,
      %swap3A_146 = vector.shape_cast %swap3A_145 : vector<16xf32> to vector<16xf32>
      %swap3A_147 = vector.shape_cast %scan3A_142 : vector<16xf32> to vector<16xf32>
      tpu.vector_store %arg17[%swap3A_144], %swap3A_147 {strides = array<i32>} : memref<16xf32, #tpu.memory_space<vmem>>, vector<16xf32>,
    } else {
    }
    %ge3A = arith.constant 4 : i32
    %ge3A_6 = arith.cmpi sge, %arg1, %ge3A : i32
    %convert_element_type3A_7 = arith.extui %ge3A_6 : i1 to i32
    %cond3A_8 = arith.constant 0 : i32
    %cond3A_9 = arith.cmpi ne, %convert_element_type3A_7, %cond3A_8 : i32
    scf.if %cond3A_9 {
      %sub3A = arith.constant 4 : i32
      %sub3A_15 = arith.subi %arg1, %sub3A : i32
      %mul3A_16 = arith.constant 8 : i32
      %mul3A_17 = arith.muli %sub3A_15, %mul3A_16 : i32
      %multiple_of3A_18 = tpu.assume_multiple %mul3A_17, 8 : i32
      %lt3A_19 = arith.constant 12 : i32
      %lt3A_20 = arith.cmpi slt, %arg1, %lt3A_19 : i32
      %convert_element_type3A_21 = arith.extui %lt3A_20 : i1 to i32
      %cond3A_22 = arith.constant 0 : i32
      %cond3A_23 = arith.cmpi ne, %convert_element_type3A_21, %cond3A_22 : i32
      scf.if %cond3A_23 {
        "tpu.region"() ({
          %run_scoped3A = tpu.sem_alloc : memref<!tpu.dma_semaphore, #tpu.memory_space<semaphore_mem>>
          %dma_start3A = arith.constant 0 : i32
          %dma_start3A_44 = tpu.memref_slice %arg9[%dma_start3A] : memref<32xi32, #tpu.memory_space<vmem>> -> memref<8xi32, #tpu.memory_space<vmem>>
          %dma_start3A_45 = tpu.memref_slice %arg2[%multiple_of3A_18] : memref<64xi32, #tpu.memory_space<hbm>> -> memref<8xi32, #tpu.memory_space<hbm>>
          %dma_start3A_46 = arith.constant 0 : i32
          %dma_start3A_47 = tpu.memref_slice %arg9[%dma_start3A_46] : memref<32xi32, #tpu.memory_space<vmem>> -> memref<8xi32, #tpu.memory_space<vmem>>
          %dma_start3A_48 = tpu.memref_slice %arg2[%multiple_of3A_18] : memref<64xi32, #tpu.memory_space<hbm>> -> memref<8xi32, #tpu.memory_space<hbm>>
          tpu.enqueue_dma source(%dma_start3A_48 : memref<8xi32, #tpu.memory_space<hbm>>) target(%dma_start3A_47 : memref<8xi32, #tpu.memory_space<vmem>>) target_semaphore(%run_scoped3A : memref<!tpu.dma_semaphore, #tpu.memory_space<semaphore_mem>>)
          %dma_wait3A = arith.constant 0 : i32
          %dma_wait3A_49 = tpu.memref_slice %arg9[%dma_wait3A] : memref<32xi32, #tpu.memory_space<vmem>> -> memref<8xi32, #tpu.memory_space<vmem>>
          %dma_wait3A_50 = tpu.memref_slice %arg2[%multiple_of3A_18] : memref<64xi32, #tpu.memory_space<hbm>> -> memref<8xi32, #tpu.memory_space<hbm>>
          %dma_wait3A_51 = arith.constant 0 : i32
          %dma_wait3A_52 = tpu.memref_slice %arg9[%dma_wait3A_51] : memref<32xi32, #tpu.memory_space<vmem>> -> memref<8xi32, #tpu.memory_space<vmem>>
          %dma_wait3A_53 = tpu.memref_slice %arg2[%multiple_of3A_18] : memref<64xi32, #tpu.memory_space<hbm>> -> memref<8xi32, #tpu.memory_space<hbm>>
          tpu.wait_dma2 semaphore(%run_scoped3A : memref<!tpu.dma_semaphore, #tpu.memory_space<semaphore_mem>>) src(%dma_wait3A_53 : memref<8xi32, #tpu.memory_space<hbm>>) dst(%dma_wait3A_52 : memref<8xi32, #tpu.memory_space<vmem>>)
          tpu.yield
        }) : () -> ()
      } else {
      }
      %ge3A_24 = arith.constant 12 : i32
      %ge3A_25 = arith.cmpi sge, %arg1, %ge3A_24 : i32
      %convert_element_type3A_26 = arith.extui %ge3A_25 : i1 to i32
      %cond3A_27 = arith.constant 0 : i32
      %cond3A_28 = arith.cmpi ne, %convert_element_type3A_26, %cond3A_27 : i32
      scf.if %cond3A_28 {
        %sub3A_44 = arith.constant 4 : i32
        %sub3A_45 = arith.subi %arg1, %sub3A_44 : i32
        %mul3A_46 = arith.constant 8 : i32
        %mul3A_47 = arith.muli %sub3A_45, %mul3A_46 : i32
        %sub3A_48 = arith.constant 64 : i32
        %sub3A_49 = arith.subi %mul3A_47, %sub3A_48 : i32
        %multiple_of3A_50 = tpu.assume_multiple %sub3A_49, 8 : i32
        "tpu.region"() ({
          %run_scoped3A = tpu.sem_alloc : memref<!tpu.dma_semaphore, #tpu.memory_space<semaphore_mem>>
          %dma_start3A = arith.constant 0 : i32
          %dma_start3A_60 = tpu.memref_slice %arg9[%dma_start3A] : memref<32xi32, #tpu.memory_space<vmem>> -> memref<8xi32, #tpu.memory_space<vmem>>
          %dma_start3A_61 = tpu.memref_slice %arg3[%multiple_of3A_50] : memref<32xi32, #tpu.memory_space<hbm>> -> memref<8xi32, #tpu.memory_space<hbm>>
          %dma_start3A_62 = arith.constant 0 : i32
          %dma_start3A_63 = tpu.memref_slice %arg9[%dma_start3A_62] : memref<32xi32, #tpu.memory_space<vmem>> -> memref<8xi32, #tpu.memory_space<vmem>>
          %dma_start3A_64 = tpu.memref_slice %arg3[%multiple_of3A_50] : memref<32xi32, #tpu.memory_space<hbm>> -> memref<8xi32, #tpu.memory_space<hbm>>
          tpu.enqueue_dma source(%dma_start3A_64 : memref<8xi32, #tpu.memory_space<hbm>>) target(%dma_start3A_63 : memref<8xi32, #tpu.memory_space<vmem>>) target_semaphore(%run_scoped3A : memref<!tpu.dma_semaphore, #tpu.memory_space<semaphore_mem>>)
          %dma_wait3A = arith.constant 0 : i32
          %dma_wait3A_65 = tpu.memref_slice %arg9[%dma_wait3A] : memref<32xi32, #tpu.memory_space<vmem>> -> memref<8xi32, #tpu.memory_space<vmem>>
          %dma_wait3A_66 = tpu.memref_slice %arg3[%multiple_of3A_50] : memref<32xi32, #tpu.memory_space<hbm>> -> memref<8xi32, #tpu.memory_space<hbm>>
          %dma_wait3A_67 = arith.constant 0 : i32
          %dma_wait3A_68 = tpu.memref_slice %arg9[%dma_wait3A_67] : memref<32xi32, #tpu.memory_space<vmem>> -> memref<8xi32, #tpu.memory_space<vmem>>
          %dma_wait3A_69 = tpu.memref_slice %arg3[%multiple_of3A_50] : memref<32xi32, #tpu.memory_space<hbm>> -> memref<8xi32, #tpu.memory_space<hbm>>
          tpu.wait_dma2 semaphore(%run_scoped3A : memref<!tpu.dma_semaphore, #tpu.memory_space<semaphore_mem>>) src(%dma_wait3A_69 : memref<8xi32, #tpu.memory_space<hbm>>) dst(%dma_wait3A_68 : memref<8xi32, #tpu.memory_space<vmem>>)
          tpu.yield
        }) : () -> ()
        %get3A = arith.constant 0 : index
        %get3A_51 = tpu.vector_load %arg9[%get3A] {strides = array<i32>} : memref<32xi32, #tpu.memory_space<vmem>>, vector<16xi32>,
        %get3A_52 = vector.shape_cast %get3A_51 : vector<16xi32> to vector<16xi32>
        %add3A_53 = arith.constant 100000 : i32
        %add3A_54 = vector.broadcast %add3A_53 : i32 to vector<16xi32>
        %add3A_55 = arith.addi %get3A_52, %add3A_54 : vector<16xi32>
        %swap3A_56 = arith.constant 0 : index
        %swap3A_57 = tpu.vector_load %arg9[%swap3A_56] {strides = array<i32>} : memref<32xi32, #tpu.memory_space<vmem>>, vector<16xi32>,
        %swap3A_58 = vector.shape_cast %swap3A_57 : vector<16xi32> to vector<16xi32>
        %swap3A_59 = vector.shape_cast %add3A_55 : vector<16xi32> to vector<16xi32>
        tpu.vector_store %arg9[%swap3A_56], %swap3A_59 {strides = array<i32>} : memref<32xi32, #tpu.memory_space<vmem>>, vector<16xi32>,
      } else {
      }
      %scan3A = arith.constant 0 : i32
      %scan3A_29 = arith.constant 0 : i32
      %scan3A_30 = arith.constant 8 : i32
      %scan3A_31 = arith.addi %scan3A_29, %scan3A_30 : i32
      %scan3A_32 = arith.constant 1 : i32
      scf.for %scan3A_44 = %scan3A_29 to %scan3A_31 step %scan3A_32  : i32 {
        %get3A = arith.index_cast %scan3A_44 : i32 to index
        %get3A_45 = tpu.vector_load %arg9[%get3A] {strides = array<i32>} : memref<32xi32, #tpu.memory_space<vmem>>, vector<16xi32>,
        %get3A_46 = vector.shape_cast %get3A_45 : vector<16xi32> to vector<16xi32>
        %slice3A = vector.extract_strided_slice %get3A_46 {offsets = [0], sizes = [1], strides = [1]} : vector<16xi32> to vector<1xi32>
        %squeeze3A = vector.extract %slice3A[0] : i32 from vector<1xi32>
        %jit3A = arith.constant 128 : i32
        %div3A = arith.divsi %squeeze3A, %jit3A : i32
        %sign3A = arith.constant 0 : i32
        %sign3A_47 = arith.cmpi sgt, %squeeze3A, %sign3A : i32
        %sign3A_48 = arith.extui %sign3A_47 : i1 to i32
        %sign3A_49 = arith.constant 0 : i32
        %sign3A_50 = arith.cmpi slt, %squeeze3A, %sign3A_49 : i32
        %sign3A_51 = arith.extui %sign3A_50 : i1 to i32
        %sign3A_52 = arith.subi %sign3A_48, %sign3A_51 : i32
        %sign3A_53 = arith.constant 0 : i32
        %sign3A_54 = arith.cmpi sgt, %jit3A, %sign3A_53 : i32
        %sign3A_55 = arith.extui %sign3A_54 : i1 to i32
        %sign3A_56 = arith.constant 0 : i32
        %sign3A_57 = arith.cmpi slt, %jit3A, %sign3A_56 : i32
        %sign3A_58 = arith.extui %sign3A_57 : i1 to i32
        %sign3A_59 = arith.subi %sign3A_55, %sign3A_58 : i32
        %ne3A = arith.cmpi ne, %sign3A_52, %sign3A_59 : i32
        %rem3A = arith.remsi %squeeze3A, %jit3A : i32
        %ne3A_60 = arith.constant 0 : i32
        %ne3A_61 = arith.cmpi ne, %rem3A, %ne3A_60 : i32
        %and3A = arith.andi %ne3A, %ne3A_61 : i1
        %sub3A_62 = arith.constant 1 : i32
        %sub3A_63 = arith.subi %div3A, %sub3A_62 : i32
        %select_n3A = arith.select %and3A, %sub3A_63, %div3A : i32
        %mul3A_64 = arith.constant 128 : i32
        %mul3A_65 = arith.muli %select_n3A, %mul3A_64 : i32
        %multiple_of3A_66 = tpu.assume_multiple %mul3A_65, 128 : i32
        %sub3A_67 = arith.subi %squeeze3A, %multiple_of3A_66 : i32
        %dma_start3A = arith.constant 0 : i32
        %dma_start3A_68 = arith.constant 0 : i32
        %dma_start3A_69 = tpu.memref_slice %arg10[%scan3A_44, %dma_start3A, %dma_start3A_68] : memref<8x65x128xf32, #tpu.memory_space<vmem>> -> memref<1x64x128xf32, #tpu.memory_space<vmem>>
        %dma_start3A_70 = tpu.memref_squeeze %dma_start3A_69 : memref<1x64x128xf32, #tpu.memory_space<vmem>> -> memref<64x128xf32, #tpu.memory_space<vmem>>
        %dma_start3A_71 = arith.constant 0 : i32
        %dma_start3A_72 = tpu.memref_slice %arg7[%dma_start3A_71, %multiple_of3A_66] : memref<64x200001xf32, #tpu.memory_space<hbm>> -> memref<64x128xf32, #tpu.memory_space<hbm>>
        %dma_start3A_73 = arith.constant 0 : i32
        %dma_start3A_74 = arith.constant 0 : i32
        %dma_start3A_75 = tpu.memref_slice %arg10[%scan3A_44, %dma_start3A_73, %dma_start3A_74] : memref<8x65x128xf32, #tpu.memory_space<vmem>> -> memref<1x64x128xf32, #tpu.memory_space<vmem>>
        %dma_start3A_76 = tpu.memref_squeeze %dma_start3A_75 : memref<1x64x128xf32, #tpu.memory_space<vmem>> -> memref<64x128xf32, #tpu.memory_space<vmem>>
        %dma_start3A_77 = arith.constant 0 : i32
        %dma_start3A_78 = tpu.memref_slice %arg7[%dma_start3A_77, %multiple_of3A_66] : memref<64x200001xf32, #tpu.memory_space<hbm>> -> memref<64x128xf32, #tpu.memory_space<hbm>>
        tpu.enqueue_dma source(%dma_start3A_78 : memref<64x128xf32, #tpu.memory_space<hbm>>) target(%dma_start3A_76 : memref<64x128xf32, #tpu.memory_space<vmem>>) target_semaphore(%arg19 : memref<!tpu.dma_semaphore, #tpu.memory_space<semaphore_mem>>)
      }
      %scan3A_33 = arith.constant 8 : i32
      %iota3A = tpu.iota {dimensions = array<i32: 0>} : vector<16xi32>
      %broadcast_in_dim3A = arith.constant 0.000000e+00 : f32
      %broadcast_in_dim3A_34 = vector.broadcast %broadcast_in_dim3A : f32 to vector<16xf32>
      %scan3A_35 = arith.constant 0 : i32
      %scan3A_36 = arith.constant 8 : i32
      %scan3A_37 = arith.addi %scan3A_35, %scan3A_36 : i32
      %scan3A_38 = arith.constant 1 : i32
      %scan3A_39 = scf.for %scan3A_44 = %scan3A_35 to %scan3A_37 step %scan3A_38 iter_args(%scan3A_45 = %broadcast_in_dim3A_34) -> (vector<16xf32>)  : i32 {
        %get3A = arith.index_cast %scan3A_44 : i32 to index
        %get3A_46 = tpu.vector_load %arg9[%get3A] {strides = array<i32>} : memref<32xi32, #tpu.memory_space<vmem>>, vector<16xi32>,
        %get3A_47 = vector.shape_cast %get3A_46 : vector<16xi32> to vector<16xi32>
        %slice3A = vector.extract_strided_slice %get3A_47 {offsets = [0], sizes = [1], strides = [1]} : vector<16xi32> to vector<1xi32>
        %squeeze3A = vector.extract %slice3A[0] : i32 from vector<1xi32>
        %jit3A = arith.constant 128 : i32
        %div3A = arith.divsi %squeeze3A, %jit3A : i32
        %sign3A = arith.constant 0 : i32
        %sign3A_48 = arith.cmpi sgt, %squeeze3A, %sign3A : i32
        %sign3A_49 = arith.extui %sign3A_48 : i1 to i32
        %sign3A_50 = arith.constant 0 : i32
        %sign3A_51 = arith.cmpi slt, %squeeze3A, %sign3A_50 : i32
        %sign3A_52 = arith.extui %sign3A_51 : i1 to i32
        %sign3A_53 = arith.subi %sign3A_49, %sign3A_52 : i32
        %sign3A_54 = arith.constant 0 : i32
        %sign3A_55 = arith.cmpi sgt, %jit3A, %sign3A_54 : i32
        %sign3A_56 = arith.extui %sign3A_55 : i1 to i32
        %sign3A_57 = arith.constant 0 : i32
        %sign3A_58 = arith.cmpi slt, %jit3A, %sign3A_57 : i32
        %sign3A_59 = arith.extui %sign3A_58 : i1 to i32
        %sign3A_60 = arith.subi %sign3A_56, %sign3A_59 : i32
        %ne3A = arith.cmpi ne, %sign3A_53, %sign3A_60 : i32
        %rem3A = arith.remsi %squeeze3A, %jit3A : i32
        %ne3A_61 = arith.constant 0 : i32
        %ne3A_62 = arith.cmpi ne, %rem3A, %ne3A_61 : i32
        %and3A = arith.andi %ne3A, %ne3A_62 : i1
        %sub3A_63 = arith.constant 1 : i32
        %sub3A_64 = arith.subi %div3A, %sub3A_63 : i32
        %select_n3A = arith.select %and3A, %sub3A_64, %div3A : i32
        %mul3A_65 = arith.constant 128 : i32
        %mul3A_66 = arith.muli %select_n3A, %mul3A_65 : i32
        %multiple_of3A_67 = tpu.assume_multiple %mul3A_66, 128 : i32
        %sub3A_68 = arith.subi %squeeze3A, %multiple_of3A_67 : i32
        %dma_wait3A = arith.constant 0 : i32
        %dma_wait3A_69 = arith.constant 0 : i32
        %dma_wait3A_70 = tpu.memref_slice %arg10[%scan3A_44, %dma_wait3A, %dma_wait3A_69] : memref<8x65x128xf32, #tpu.memory_space<vmem>> -> memref<1x64x128xf32, #tpu.memory_space<vmem>>
        %dma_wait3A_71 = tpu.memref_squeeze %dma_wait3A_70 : memref<1x64x128xf32, #tpu.memory_space<vmem>> -> memref<64x128xf32, #tpu.memory_space<vmem>>
        %dma_wait3A_72 = arith.constant 0 : i32
        %dma_wait3A_73 = tpu.memref_slice %arg7[%dma_wait3A_72, %multiple_of3A_67] : memref<64x200001xf32, #tpu.memory_space<hbm>> -> memref<64x128xf32, #tpu.memory_space<hbm>>
        %dma_wait3A_74 = arith.constant 0 : i32
        %dma_wait3A_75 = arith.constant 0 : i32
        %dma_wait3A_76 = tpu.memref_slice %arg10[%scan3A_44, %dma_wait3A_74, %dma_wait3A_75] : memref<8x65x128xf32, #tpu.memory_space<vmem>> -> memref<1x64x128xf32, #tpu.memory_space<vmem>>
        %dma_wait3A_77 = tpu.memref_squeeze %dma_wait3A_76 : memref<1x64x128xf32, #tpu.memory_space<vmem>> -> memref<64x128xf32, #tpu.memory_space<vmem>>
        %dma_wait3A_78 = arith.constant 0 : i32
        %dma_wait3A_79 = tpu.memref_slice %arg7[%dma_wait3A_78, %multiple_of3A_67] : memref<64x200001xf32, #tpu.memory_space<hbm>> -> memref<64x128xf32, #tpu.memory_space<hbm>>
        tpu.wait_dma2 semaphore(%arg19 : memref<!tpu.dma_semaphore, #tpu.memory_space<semaphore_mem>>) src(%dma_wait3A_79 : memref<64x128xf32, #tpu.memory_space<hbm>>) dst(%dma_wait3A_77 : memref<64x128xf32, #tpu.memory_space<vmem>>)
        %broadcast_in_dim3A_80 = arith.constant 0.000000e+00 : f32
        %broadcast_in_dim3A_81 = vector.broadcast %broadcast_in_dim3A_80 : f32 to vector<16xf32>
        %scan3A_82 = arith.constant 0 : i32
        %scan3A_83 = arith.constant 8 : i32
        %scan3A_84 = arith.addi %scan3A_82, %scan3A_83 : i32
        %scan3A_85 = arith.constant 1 : i32
        %scan3A_86 = scf.for %scan3A_93 = %scan3A_82 to %scan3A_84 step %scan3A_85 iter_args(%scan3A_94 = %broadcast_in_dim3A_81) -> (vector<16xf32>)  : i32 {
          %mul3A_95 = arith.constant 8 : i32
          %mul3A_96 = arith.muli %scan3A_93, %mul3A_95 : i32
          %add3A_97 = arith.constant 0 : i32
          %add3A_98 = arith.addi %mul3A_96, %add3A_97 : i32
          %get3A_99 = arith.index_cast %scan3A_44 : i32 to index
          %get3A_100 = arith.index_cast %add3A_98 : i32 to index
          %get3A_101 = arith.index_cast %sub3A_68 : i32 to index
          %get3A_102 = tpu.vector_load %arg10[%get3A_99, %get3A_100, %get3A_101] {strides = array<i32>} : memref<8x65x128xf32, #tpu.memory_space<vmem>>, vector<1x1x16xf32>,
          %get3A_103 = vector.shape_cast %get3A_102 : vector<1x1x16xf32> to vector<16xf32>
          %mul3A_104 = arith.constant 8 : i32
          %mul3A_105 = arith.muli %scan3A_93, %mul3A_104 : i32
          %add3A_106 = arith.constant 1 : i32
          %add3A_107 = arith.addi %mul3A_105, %add3A_106 : i32
          %get3A_108 = arith.index_cast %scan3A_44 : i32 to index
          %get3A_109 = arith.index_cast %add3A_107 : i32 to index
          %get3A_110 = arith.index_cast %sub3A_68 : i32 to index
          %get3A_111 = tpu.vector_load %arg10[%get3A_108, %get3A_109, %get3A_110] {strides = array<i32>} : memref<8x65x128xf32, #tpu.memory_space<vmem>>, vector<1x1x16xf32>,
          %get3A_112 = vector.shape_cast %get3A_111 : vector<1x1x16xf32> to vector<16xf32>
          %mul3A_113 = arith.constant 8 : i32
          %mul3A_114 = arith.muli %scan3A_93, %mul3A_113 : i32
          %add3A_115 = arith.constant 2 : i32
          %add3A_116 = arith.addi %mul3A_114, %add3A_115 : i32
          %get3A_117 = arith.index_cast %scan3A_44 : i32 to index
          %get3A_118 = arith.index_cast %add3A_116 : i32 to index
          %get3A_119 = arith.index_cast %sub3A_68 : i32 to index
          %get3A_120 = tpu.vector_load %arg10[%get3A_117, %get3A_118, %get3A_119] {strides = array<i32>} : memref<8x65x128xf32, #tpu.memory_space<vmem>>, vector<1x1x16xf32>,
          %get3A_121 = vector.shape_cast %get3A_120 : vector<1x1x16xf32> to vector<16xf32>
          %mul3A_122 = arith.constant 8 : i32
          %mul3A_123 = arith.muli %scan3A_93, %mul3A_122 : i32
          %add3A_124 = arith.constant 3 : i32
          %add3A_125 = arith.addi %mul3A_123, %add3A_124 : i32
          %get3A_126 = arith.index_cast %scan3A_44 : i32 to index
          %get3A_127 = arith.index_cast %add3A_125 : i32 to index
          %get3A_128 = arith.index_cast %sub3A_68 : i32 to index
          %get3A_129 = tpu.vector_load %arg10[%get3A_126, %get3A_127, %get3A_128] {strides = array<i32>} : memref<8x65x128xf32, #tpu.memory_space<vmem>>, vector<1x1x16xf32>,
          %get3A_130 = vector.shape_cast %get3A_129 : vector<1x1x16xf32> to vector<16xf32>
          %mul3A_131 = arith.constant 8 : i32
          %mul3A_132 = arith.muli %scan3A_93, %mul3A_131 : i32
          %add3A_133 = arith.constant 4 : i32
          %add3A_134 = arith.addi %mul3A_132, %add3A_133 : i32
          %get3A_135 = arith.index_cast %scan3A_44 : i32 to index
          %get3A_136 = arith.index_cast %add3A_134 : i32 to index
          %get3A_137 = arith.index_cast %sub3A_68 : i32 to index
          %get3A_138 = tpu.vector_load %arg10[%get3A_135, %get3A_136, %get3A_137] {strides = array<i32>} : memref<8x65x128xf32, #tpu.memory_space<vmem>>, vector<1x1x16xf32>,
          %get3A_139 = vector.shape_cast %get3A_138 : vector<1x1x16xf32> to vector<16xf32>
          %mul3A_140 = arith.constant 8 : i32
          %mul3A_141 = arith.muli %scan3A_93, %mul3A_140 : i32
          %add3A_142 = arith.constant 5 : i32
          %add3A_143 = arith.addi %mul3A_141, %add3A_142 : i32
          %get3A_144 = arith.index_cast %scan3A_44 : i32 to index
          %get3A_145 = arith.index_cast %add3A_143 : i32 to index
          %get3A_146 = arith.index_cast %sub3A_68 : i32 to index
          %get3A_147 = tpu.vector_load %arg10[%get3A_144, %get3A_145, %get3A_146] {strides = array<i32>} : memref<8x65x128xf32, #tpu.memory_space<vmem>>, vector<1x1x16xf32>,
          %get3A_148 = vector.shape_cast %get3A_147 : vector<1x1x16xf32> to vector<16xf32>
          %mul3A_149 = arith.constant 8 : i32
          %mul3A_150 = arith.muli %scan3A_93, %mul3A_149 : i32
          %add3A_151 = arith.constant 6 : i32
          %add3A_152 = arith.addi %mul3A_150, %add3A_151 : i32
          %get3A_153 = arith.index_cast %scan3A_44 : i32 to index
          %get3A_154 = arith.index_cast %add3A_152 : i32 to index
          %get3A_155 = arith.index_cast %sub3A_68 : i32 to index
          %get3A_156 = tpu.vector_load %arg10[%get3A_153, %get3A_154, %get3A_155] {strides = array<i32>} : memref<8x65x128xf32, #tpu.memory_space<vmem>>, vector<1x1x16xf32>,
          %get3A_157 = vector.shape_cast %get3A_156 : vector<1x1x16xf32> to vector<16xf32>
          %mul3A_158 = arith.constant 8 : i32
          %mul3A_159 = arith.muli %scan3A_93, %mul3A_158 : i32
          %add3A_160 = arith.constant 7 : i32
          %add3A_161 = arith.addi %mul3A_159, %add3A_160 : i32
          %get3A_162 = arith.index_cast %scan3A_44 : i32 to index
          %get3A_163 = arith.index_cast %add3A_161 : i32 to index
          %get3A_164 = arith.index_cast %sub3A_68 : i32 to index
          %get3A_165 = tpu.vector_load %arg10[%get3A_162, %get3A_163, %get3A_164] {strides = array<i32>} : memref<8x65x128xf32, #tpu.memory_space<vmem>>, vector<1x1x16xf32>,
          %get3A_166 = vector.shape_cast %get3A_165 : vector<1x1x16xf32> to vector<16xf32>
          %add3A_167 = arith.addf %get3A_103, %get3A_112 : vector<16xf32>
          %add3A_168 = arith.addf %get3A_121, %get3A_130 : vector<16xf32>
          %add3A_169 = arith.addf %get3A_139, %get3A_148 : vector<16xf32>
          %add3A_170 = arith.addf %get3A_157, %get3A_166 : vector<16xf32>
          %add3A_171 = arith.addf %add3A_167, %add3A_168 : vector<16xf32>
          %add3A_172 = arith.addf %add3A_169, %add3A_170 : vector<16xf32>
          %add3A_173 = arith.addf %add3A_171, %add3A_172 : vector<16xf32>
          %add3A_174 = arith.addf %scan3A_94, %add3A_173 : vector<16xf32>
          scf.yield %add3A_174 : vector<16xf32>
        }
        %scan3A_87 = arith.constant 8 : i32
        %eq3A = vector.broadcast %scan3A_44 : i32 to vector<16xi32>
        %eq3A_88 = arith.cmpi eq, %iota3A, %eq3A : vector<16xi32>
        %slice3A_89 = vector.extract_strided_slice %scan3A_86 {offsets = [0], sizes = [1], strides = [1]} : vector<16xf32> to vector<1xf32>
        %squeeze3A_90 = vector.extract %slice3A_89[0] : f32 from vector<1xf32>
        %broadcast_in_dim3A_91 = vector.broadcast %squeeze3A_90 : f32 to vector<16xf32>
        %select_n3A_92 = arith.select %eq3A_88, %broadcast_in_dim3A_91, %scan3A_45 : vector<16xi1>, vector<16xf32>
        scf.yield %select_n3A_92 : vector<16xf32>
      }
      %scan3A_40 = arith.constant 8 : i32
      %swap3A = arith.constant 0 : index
      %swap3A_41 = tpu.vector_load %arg11[%swap3A] {strides = array<i32>} : memref<16xf32, #tpu.memory_space<vmem>>, vector<16xf32>,
      %swap3A_42 = vector.shape_cast %swap3A_41 : vector<16xf32> to vector<16xf32>
      %swap3A_43 = vector.shape_cast %scan3A_39 : vector<16xf32> to vector<16xf32>
      tpu.vector_store %arg11[%swap3A], %swap3A_43 {strides = array<i32>} : memref<16xf32, #tpu.memory_space<vmem>>, vector<16xf32>,
      "tpu.region"() ({
        %run_scoped3A = tpu.sem_alloc : memref<!tpu.dma_semaphore, #tpu.memory_space<semaphore_mem>>
        %dma_start3A = arith.constant 0 : i32
        %dma_start3A_44 = tpu.memref_slice %arg11[%dma_start3A] : memref<16xf32, #tpu.memory_space<vmem>> -> memref<8xf32, #tpu.memory_space<vmem>>
        %dma_start3A_45 = tpu.memref_slice %arg18[%multiple_of3A_18] : memref<128xf32, #tpu.memory_space<vmem_shared>> -> memref<8xf32, #tpu.memory_space<vmem_shared>>
        %dma_start3A_46 = tpu.memref_slice %arg18[%multiple_of3A_18] : memref<128xf32, #tpu.memory_space<vmem_shared>> -> memref<8xf32, #tpu.memory_space<vmem_shared>>
        %dma_start3A_47 = arith.constant 0 : i32
        %dma_start3A_48 = tpu.memref_slice %arg11[%dma_start3A_47] : memref<16xf32, #tpu.memory_space<vmem>> -> memref<8xf32, #tpu.memory_space<vmem>>
        tpu.enqueue_dma source(%dma_start3A_48 : memref<8xf32, #tpu.memory_space<vmem>>) target(%dma_start3A_46 : memref<8xf32, #tpu.memory_space<vmem_shared>>) target_semaphore(%run_scoped3A : memref<!tpu.dma_semaphore, #tpu.memory_space<semaphore_mem>>)
        %dma_wait3A = arith.constant 0 : i32
        %dma_wait3A_49 = tpu.memref_slice %arg11[%dma_wait3A] : memref<16xf32, #tpu.memory_space<vmem>> -> memref<8xf32, #tpu.memory_space<vmem>>
        %dma_wait3A_50 = tpu.memref_slice %arg18[%multiple_of3A_18] : memref<128xf32, #tpu.memory_space<vmem_shared>> -> memref<8xf32, #tpu.memory_space<vmem_shared>>
        %dma_wait3A_51 = tpu.memref_slice %arg18[%multiple_of3A_18] : memref<128xf32, #tpu.memory_space<vmem_shared>> -> memref<8xf32, #tpu.memory_space<vmem_shared>>
        %dma_wait3A_52 = arith.constant 0 : i32
        %dma_wait3A_53 = tpu.memref_slice %arg11[%dma_wait3A_52] : memref<16xf32, #tpu.memory_space<vmem>> -> memref<8xf32, #tpu.memory_space<vmem>>
        tpu.wait_dma2 semaphore(%run_scoped3A : memref<!tpu.dma_semaphore, #tpu.memory_space<semaphore_mem>>) src(%dma_wait3A_53 : memref<8xf32, #tpu.memory_space<vmem>>) dst(%dma_wait3A_51 : memref<8xf32, #tpu.memory_space<vmem_shared>>)
        tpu.yield
      }) : () -> ()
    } else {
    }
    %barrier3A = arith.constant 0 : index
    tpu.barrier barrier_id(%barrier3A)
    %lt3A_10 = arith.constant 4 : i32
    %lt3A_11 = arith.cmpi slt, %arg1, %lt3A_10 : i32
    %convert_element_type3A_12 = arith.extui %lt3A_11 : i1 to i32
    %cond3A_13 = arith.constant 0 : i32
    %cond3A_14 = arith.cmpi ne, %convert_element_type3A_12, %cond3A_13 : i32
    scf.if %cond3A_14 {
      %dma_start3A = arith.constant 0 : i32
      %dma_start3A_15 = tpu.memref_slice %arg12[%dma_start3A] : memref<144xf32, #tpu.memory_space<vmem>> -> memref<128xf32, #tpu.memory_space<vmem>>
      %dma_start3A_16 = arith.constant 0 : i32
      %dma_start3A_17 = tpu.memref_slice %arg12[%dma_start3A_16] : memref<144xf32, #tpu.memory_space<vmem>> -> memref<128xf32, #tpu.memory_space<vmem>>
      tpu.enqueue_dma source(%arg18 : memref<128xf32, #tpu.memory_space<vmem_shared>>) target(%dma_start3A_17 : memref<128xf32, #tpu.memory_space<vmem>>) target_semaphore(%arg23 : memref<!tpu.dma_semaphore, #tpu.memory_space<semaphore_mem>>)
      %dma_wait3A = arith.constant 0 : i32
      %dma_wait3A_18 = arith.constant 0 : i32
      %dma_wait3A_19 = tpu.memref_slice %arg5[%dma_wait3A, %dma_wait3A_18] : memref<200127x128xf32, #tpu.memory_space<hbm>> -> memref<96x128xf32, #tpu.memory_space<hbm>>
      %dma_wait3A_20 = arith.constant 0 : i32
      %dma_wait3A_21 = arith.constant 0 : i32
      %dma_wait3A_22 = tpu.memref_slice %arg5[%dma_wait3A_20, %dma_wait3A_21] : memref<200127x128xf32, #tpu.memory_space<hbm>> -> memref<96x128xf32, #tpu.memory_space<hbm>>
      tpu.wait_dma2 semaphore(%arg21 : memref<!tpu.dma_semaphore, #tpu.memory_space<semaphore_mem>>) src(%dma_wait3A_22 : memref<96x128xf32, #tpu.memory_space<hbm>>) dst(%arg14 : memref<96x128xf32, #tpu.memory_space<vmem>>)
      %dma_wait3A_23 = arith.constant 0 : i32
      %dma_wait3A_24 = tpu.memref_slice %arg12[%dma_wait3A_23] : memref<144xf32, #tpu.memory_space<vmem>> -> memref<128xf32, #tpu.memory_space<vmem>>
      %dma_wait3A_25 = arith.constant 0 : i32
      %dma_wait3A_26 = tpu.memref_slice %arg12[%dma_wait3A_25] : memref<144xf32, #tpu.memory_space<vmem>> -> memref<128xf32, #tpu.memory_space<vmem>>
      tpu.wait_dma2 semaphore(%arg23 : memref<!tpu.dma_semaphore, #tpu.memory_space<semaphore_mem>>) src(%arg18 : memref<128xf32, #tpu.memory_space<vmem_shared>>) dst(%dma_wait3A_26 : memref<128xf32, #tpu.memory_space<vmem>>)
      %get3A = arith.constant 0 : index
      %get3A_27 = tpu.vector_load %arg17[%get3A] {strides = array<i32>} : memref<16xf32, #tpu.memory_space<vmem>>, vector<16xf32>,
      %get3A_28 = vector.shape_cast %get3A_27 : vector<16xf32> to vector<16xf32>
      %scan3A = arith.constant 0 : i32
      %scan3A_29 = arith.constant 12 : i32
      %scan3A_30 = arith.addi %scan3A, %scan3A_29 : i32
      %scan3A_31 = arith.constant 1 : i32
      %scan3A_32 = scf.for %scan3A_44 = %scan3A to %scan3A_30 step %scan3A_31 iter_args(%scan3A_45 = %get3A_28) -> (vector<16xf32>)  : i32 {
        %mul3A_46 = arith.constant 8 : i32
        %mul3A_47 = arith.muli %scan3A_44, %mul3A_46 : i32
        %add3A_48 = arith.constant 0 : i32
        %add3A_49 = arith.addi %mul3A_47, %add3A_48 : i32
        %get3A_50 = arith.index_cast %add3A_49 : i32 to index
        %get3A_51 = tpu.vector_load %arg12[%get3A_50] {strides = array<i32>} : memref<144xf32, #tpu.memory_space<vmem>>, vector<16xf32>,
        %get3A_52 = vector.shape_cast %get3A_51 : vector<16xf32> to vector<16xf32>
        %slice3A = vector.extract_strided_slice %get3A_52 {offsets = [0], sizes = [1], strides = [1]} : vector<16xf32> to vector<1xf32>
        %squeeze3A = vector.extract %slice3A[0] : f32 from vector<1xf32>
        %mul3A_53 = arith.constant 8 : i32
        %mul3A_54 = arith.muli %scan3A_44, %mul3A_53 : i32
        %add3A_55 = arith.constant 0 : i32
        %add3A_56 = arith.addi %mul3A_54, %add3A_55 : i32
        %get3A_57 = arith.index_cast %add3A_56 : i32 to index
        %get3A_58 = arith.index_cast %multiple_of3A : i32 to index
        %get3A_59 = tpu.vector_load %arg14[%get3A_57, %get3A_58] {strides = array<i32>} : memref<96x128xf32, #tpu.memory_space<vmem>>, vector<1x16xf32>,
        %get3A_60 = vector.shape_cast %get3A_59 : vector<1x16xf32> to vector<16xf32>
        %mul3A_61 = vector.broadcast %squeeze3A : f32 to vector<16xf32>
        %mul3A_62 = arith.mulf %mul3A_61, %get3A_60 : vector<16xf32>
        %mul3A_63 = arith.constant 8 : i32
        %mul3A_64 = arith.muli %scan3A_44, %mul3A_63 : i32
        %add3A_65 = arith.constant 1 : i32
        %add3A_66 = arith.addi %mul3A_64, %add3A_65 : i32
        %get3A_67 = arith.index_cast %add3A_66 : i32 to index
        %get3A_68 = tpu.vector_load %arg12[%get3A_67] {strides = array<i32>} : memref<144xf32, #tpu.memory_space<vmem>>, vector<16xf32>,
        %get3A_69 = vector.shape_cast %get3A_68 : vector<16xf32> to vector<16xf32>
        %slice3A_70 = vector.extract_strided_slice %get3A_69 {offsets = [0], sizes = [1], strides = [1]} : vector<16xf32> to vector<1xf32>
        %squeeze3A_71 = vector.extract %slice3A_70[0] : f32 from vector<1xf32>
        %mul3A_72 = arith.constant 8 : i32
        %mul3A_73 = arith.muli %scan3A_44, %mul3A_72 : i32
        %add3A_74 = arith.constant 1 : i32
        %add3A_75 = arith.addi %mul3A_73, %add3A_74 : i32
        %get3A_76 = arith.index_cast %add3A_75 : i32 to index
        %get3A_77 = arith.index_cast %multiple_of3A : i32 to index
        %get3A_78 = tpu.vector_load %arg14[%get3A_76, %get3A_77] {strides = array<i32>} : memref<96x128xf32, #tpu.memory_space<vmem>>, vector<1x16xf32>,
        %get3A_79 = vector.shape_cast %get3A_78 : vector<1x16xf32> to vector<16xf32>
        %mul3A_80 = vector.broadcast %squeeze3A_71 : f32 to vector<16xf32>
        %mul3A_81 = arith.mulf %mul3A_80, %get3A_79 : vector<16xf32>
        %mul3A_82 = arith.constant 8 : i32
        %mul3A_83 = arith.muli %scan3A_44, %mul3A_82 : i32
        %add3A_84 = arith.constant 2 : i32
        %add3A_85 = arith.addi %mul3A_83, %add3A_84 : i32
        %get3A_86 = arith.index_cast %add3A_85 : i32 to index
        %get3A_87 = tpu.vector_load %arg12[%get3A_86] {strides = array<i32>} : memref<144xf32, #tpu.memory_space<vmem>>, vector<16xf32>,
        %get3A_88 = vector.shape_cast %get3A_87 : vector<16xf32> to vector<16xf32>
        %slice3A_89 = vector.extract_strided_slice %get3A_88 {offsets = [0], sizes = [1], strides = [1]} : vector<16xf32> to vector<1xf32>
        %squeeze3A_90 = vector.extract %slice3A_89[0] : f32 from vector<1xf32>
        %mul3A_91 = arith.constant 8 : i32
        %mul3A_92 = arith.muli %scan3A_44, %mul3A_91 : i32
        %add3A_93 = arith.constant 2 : i32
        %add3A_94 = arith.addi %mul3A_92, %add3A_93 : i32
        %get3A_95 = arith.index_cast %add3A_94 : i32 to index
        %get3A_96 = arith.index_cast %multiple_of3A : i32 to index
        %get3A_97 = tpu.vector_load %arg14[%get3A_95, %get3A_96] {strides = array<i32>} : memref<96x128xf32, #tpu.memory_space<vmem>>, vector<1x16xf32>,
        %get3A_98 = vector.shape_cast %get3A_97 : vector<1x16xf32> to vector<16xf32>
        %mul3A_99 = vector.broadcast %squeeze3A_90 : f32 to vector<16xf32>
        %mul3A_100 = arith.mulf %mul3A_99, %get3A_98 : vector<16xf32>
        %mul3A_101 = arith.constant 8 : i32
        %mul3A_102 = arith.muli %scan3A_44, %mul3A_101 : i32
        %add3A_103 = arith.constant 3 : i32
        %add3A_104 = arith.addi %mul3A_102, %add3A_103 : i32
        %get3A_105 = arith.index_cast %add3A_104 : i32 to index
        %get3A_106 = tpu.vector_load %arg12[%get3A_105] {strides = array<i32>} : memref<144xf32, #tpu.memory_space<vmem>>, vector<16xf32>,
        %get3A_107 = vector.shape_cast %get3A_106 : vector<16xf32> to vector<16xf32>
        %slice3A_108 = vector.extract_strided_slice %get3A_107 {offsets = [0], sizes = [1], strides = [1]} : vector<16xf32> to vector<1xf32>
        %squeeze3A_109 = vector.extract %slice3A_108[0] : f32 from vector<1xf32>
        %mul3A_110 = arith.constant 8 : i32
        %mul3A_111 = arith.muli %scan3A_44, %mul3A_110 : i32
        %add3A_112 = arith.constant 3 : i32
        %add3A_113 = arith.addi %mul3A_111, %add3A_112 : i32
        %get3A_114 = arith.index_cast %add3A_113 : i32 to index
        %get3A_115 = arith.index_cast %multiple_of3A : i32 to index
        %get3A_116 = tpu.vector_load %arg14[%get3A_114, %get3A_115] {strides = array<i32>} : memref<96x128xf32, #tpu.memory_space<vmem>>, vector<1x16xf32>,
        %get3A_117 = vector.shape_cast %get3A_116 : vector<1x16xf32> to vector<16xf32>
        %mul3A_118 = vector.broadcast %squeeze3A_109 : f32 to vector<16xf32>
        %mul3A_119 = arith.mulf %mul3A_118, %get3A_117 : vector<16xf32>
        %mul3A_120 = arith.constant 8 : i32
        %mul3A_121 = arith.muli %scan3A_44, %mul3A_120 : i32
        %add3A_122 = arith.constant 4 : i32
        %add3A_123 = arith.addi %mul3A_121, %add3A_122 : i32
        %get3A_124 = arith.index_cast %add3A_123 : i32 to index
        %get3A_125 = tpu.vector_load %arg12[%get3A_124] {strides = array<i32>} : memref<144xf32, #tpu.memory_space<vmem>>, vector<16xf32>,
        %get3A_126 = vector.shape_cast %get3A_125 : vector<16xf32> to vector<16xf32>
        %slice3A_127 = vector.extract_strided_slice %get3A_126 {offsets = [0], sizes = [1], strides = [1]} : vector<16xf32> to vector<1xf32>
        %squeeze3A_128 = vector.extract %slice3A_127[0] : f32 from vector<1xf32>
        %mul3A_129 = arith.constant 8 : i32
        %mul3A_130 = arith.muli %scan3A_44, %mul3A_129 : i32
        %add3A_131 = arith.constant 4 : i32
        %add3A_132 = arith.addi %mul3A_130, %add3A_131 : i32
        %get3A_133 = arith.index_cast %add3A_132 : i32 to index
        %get3A_134 = arith.index_cast %multiple_of3A : i32 to index
        %get3A_135 = tpu.vector_load %arg14[%get3A_133, %get3A_134] {strides = array<i32>} : memref<96x128xf32, #tpu.memory_space<vmem>>, vector<1x16xf32>,
        %get3A_136 = vector.shape_cast %get3A_135 : vector<1x16xf32> to vector<16xf32>
        %mul3A_137 = vector.broadcast %squeeze3A_128 : f32 to vector<16xf32>
        %mul3A_138 = arith.mulf %mul3A_137, %get3A_136 : vector<16xf32>
        %mul3A_139 = arith.constant 8 : i32
        %mul3A_140 = arith.muli %scan3A_44, %mul3A_139 : i32
        %add3A_141 = arith.constant 5 : i32
        %add3A_142 = arith.addi %mul3A_140, %add3A_141 : i32
        %get3A_143 = arith.index_cast %add3A_142 : i32 to index
        %get3A_144 = tpu.vector_load %arg12[%get3A_143] {strides = array<i32>} : memref<144xf32, #tpu.memory_space<vmem>>, vector<16xf32>,
        %get3A_145 = vector.shape_cast %get3A_144 : vector<16xf32> to vector<16xf32>
        %slice3A_146 = vector.extract_strided_slice %get3A_145 {offsets = [0], sizes = [1], strides = [1]} : vector<16xf32> to vector<1xf32>
        %squeeze3A_147 = vector.extract %slice3A_146[0] : f32 from vector<1xf32>
        %mul3A_148 = arith.constant 8 : i32
        %mul3A_149 = arith.muli %scan3A_44, %mul3A_148 : i32
        %add3A_150 = arith.constant 5 : i32
        %add3A_151 = arith.addi %mul3A_149, %add3A_150 : i32
        %get3A_152 = arith.index_cast %add3A_151 : i32 to index
        %get3A_153 = arith.index_cast %multiple_of3A : i32 to index
        %get3A_154 = tpu.vector_load %arg14[%get3A_152, %get3A_153] {strides = array<i32>} : memref<96x128xf32, #tpu.memory_space<vmem>>, vector<1x16xf32>,
        %get3A_155 = vector.shape_cast %get3A_154 : vector<1x16xf32> to vector<16xf32>
        %mul3A_156 = vector.broadcast %squeeze3A_147 : f32 to vector<16xf32>
        %mul3A_157 = arith.mulf %mul3A_156, %get3A_155 : vector<16xf32>
        %mul3A_158 = arith.constant 8 : i32
        %mul3A_159 = arith.muli %scan3A_44, %mul3A_158 : i32
        %add3A_160 = arith.constant 6 : i32
        %add3A_161 = arith.addi %mul3A_159, %add3A_160 : i32
        %get3A_162 = arith.index_cast %add3A_161 : i32 to index
        %get3A_163 = tpu.vector_load %arg12[%get3A_162] {strides = array<i32>} : memref<144xf32, #tpu.memory_space<vmem>>, vector<16xf32>,
        %get3A_164 = vector.shape_cast %get3A_163 : vector<16xf32> to vector<16xf32>
        %slice3A_165 = vector.extract_strided_slice %get3A_164 {offsets = [0], sizes = [1], strides = [1]} : vector<16xf32> to vector<1xf32>
        %squeeze3A_166 = vector.extract %slice3A_165[0] : f32 from vector<1xf32>
        %mul3A_167 = arith.constant 8 : i32
        %mul3A_168 = arith.muli %scan3A_44, %mul3A_167 : i32
        %add3A_169 = arith.constant 6 : i32
        %add3A_170 = arith.addi %mul3A_168, %add3A_169 : i32
        %get3A_171 = arith.index_cast %add3A_170 : i32 to index
        %get3A_172 = arith.index_cast %multiple_of3A : i32 to index
        %get3A_173 = tpu.vector_load %arg14[%get3A_171, %get3A_172] {strides = array<i32>} : memref<96x128xf32, #tpu.memory_space<vmem>>, vector<1x16xf32>,
        %get3A_174 = vector.shape_cast %get3A_173 : vector<1x16xf32> to vector<16xf32>
        %mul3A_175 = vector.broadcast %squeeze3A_166 : f32 to vector<16xf32>
        %mul3A_176 = arith.mulf %mul3A_175, %get3A_174 : vector<16xf32>
        %mul3A_177 = arith.constant 8 : i32
        %mul3A_178 = arith.muli %scan3A_44, %mul3A_177 : i32
        %add3A_179 = arith.constant 7 : i32
        %add3A_180 = arith.addi %mul3A_178, %add3A_179 : i32
        %get3A_181 = arith.index_cast %add3A_180 : i32 to index
        %get3A_182 = tpu.vector_load %arg12[%get3A_181] {strides = array<i32>} : memref<144xf32, #tpu.memory_space<vmem>>, vector<16xf32>,
        %get3A_183 = vector.shape_cast %get3A_182 : vector<16xf32> to vector<16xf32>
        %slice3A_184 = vector.extract_strided_slice %get3A_183 {offsets = [0], sizes = [1], strides = [1]} : vector<16xf32> to vector<1xf32>
        %squeeze3A_185 = vector.extract %slice3A_184[0] : f32 from vector<1xf32>
        %mul3A_186 = arith.constant 8 : i32
        %mul3A_187 = arith.muli %scan3A_44, %mul3A_186 : i32
        %add3A_188 = arith.constant 7 : i32
        %add3A_189 = arith.addi %mul3A_187, %add3A_188 : i32
        %get3A_190 = arith.index_cast %add3A_189 : i32 to index
        %get3A_191 = arith.index_cast %multiple_of3A : i32 to index
        %get3A_192 = tpu.vector_load %arg14[%get3A_190, %get3A_191] {strides = array<i32>} : memref<96x128xf32, #tpu.memory_space<vmem>>, vector<1x16xf32>,
        %get3A_193 = vector.shape_cast %get3A_192 : vector<1x16xf32> to vector<16xf32>
        %mul3A_194 = vector.broadcast %squeeze3A_185 : f32 to vector<16xf32>
        %mul3A_195 = arith.mulf %mul3A_194, %get3A_193 : vector<16xf32>
        %add3A_196 = arith.addf %mul3A_62, %mul3A_81 : vector<16xf32>
        %add3A_197 = arith.addf %mul3A_100, %mul3A_119 : vector<16xf32>
        %add3A_198 = arith.addf %mul3A_138, %mul3A_157 : vector<16xf32>
        %add3A_199 = arith.addf %mul3A_176, %mul3A_195 : vector<16xf32>
        %add3A_200 = arith.addf %add3A_196, %add3A_197 : vector<16xf32>
        %add3A_201 = arith.addf %add3A_198, %add3A_199 : vector<16xf32>
        %add3A_202 = arith.addf %add3A_200, %add3A_201 : vector<16xf32>
        %add3A_203 = arith.addf %scan3A_45, %add3A_202 : vector<16xf32>
        scf.yield %add3A_203 : vector<16xf32>
      }
      %scan3A_33 = arith.constant 12 : i32
      %neg3A = arith.constant 0.000000e+00 : f32
      %neg3A_34 = vector.broadcast %neg3A : f32 to vector<16xf32>
      %neg3A_35 = arith.subf %neg3A_34, %scan3A_32 : vector<16xf32>
      %exp3A = math.exp %neg3A_35 : vector<16xf32>
      %add3A_36 = arith.constant 1.000000e+00 : f32
      %add3A_37 = vector.broadcast %add3A_36 : f32 to vector<16xf32>
      %add3A_38 = arith.addf %add3A_37, %exp3A : vector<16xf32>
      %div3A = arith.constant 1.000000e+00 : f32
      %div3A_39 = vector.broadcast %div3A : f32 to vector<16xf32>
      %div3A_40 = arith.divf %div3A_39, %add3A_38 : vector<16xf32>
      %swap3A = arith.constant 0 : index
      %swap3A_41 = tpu.vector_load %arg17[%swap3A] {strides = array<i32>} : memref<16xf32, #tpu.memory_space<vmem>>, vector<16xf32>,
      %swap3A_42 = vector.shape_cast %swap3A_41 : vector<16xf32> to vector<16xf32>
      %swap3A_43 = vector.shape_cast %div3A_40 : vector<16xf32> to vector<16xf32>
      tpu.vector_store %arg17[%swap3A], %swap3A_43 {strides = array<i32>} : memref<16xf32, #tpu.memory_space<vmem>>, vector<16xf32>,
      "tpu.region"() ({
        %run_scoped3A = tpu.sem_alloc : memref<!tpu.dma_semaphore, #tpu.memory_space<semaphore_mem>>
        %dma_start3A_44 = arith.constant 0 : i32
        %dma_start3A_45 = tpu.memref_slice %arg17[%dma_start3A_44] : memref<16xf32, #tpu.memory_space<vmem>> -> memref<16xf32, #tpu.memory_space<vmem>>
        %dma_start3A_46 = tpu.memref_slice %arg8[%multiple_of3A] : memref<128xf32, #tpu.memory_space<hbm>> -> memref<16xf32, #tpu.memory_space<hbm>>
        %dma_start3A_47 = tpu.memref_slice %arg8[%multiple_of3A] : memref<128xf32, #tpu.memory_space<hbm>> -> memref<16xf32, #tpu.memory_space<hbm>>
        %dma_start3A_48 = arith.constant 0 : i32
        %dma_start3A_49 = tpu.memref_slice %arg17[%dma_start3A_48] : memref<16xf32, #tpu.memory_space<vmem>> -> memref<16xf32, #tpu.memory_space<vmem>>
        tpu.enqueue_dma source(%dma_start3A_49 : memref<16xf32, #tpu.memory_space<vmem>>) target(%dma_start3A_47 : memref<16xf32, #tpu.memory_space<hbm>>) target_semaphore(%run_scoped3A : memref<!tpu.dma_semaphore, #tpu.memory_space<semaphore_mem>>)
        %dma_wait3A_50 = arith.constant 0 : i32
        %dma_wait3A_51 = tpu.memref_slice %arg17[%dma_wait3A_50] : memref<16xf32, #tpu.memory_space<vmem>> -> memref<16xf32, #tpu.memory_space<vmem>>
        %dma_wait3A_52 = tpu.memref_slice %arg8[%multiple_of3A] : memref<128xf32, #tpu.memory_space<hbm>> -> memref<16xf32, #tpu.memory_space<hbm>>
        %dma_wait3A_53 = tpu.memref_slice %arg8[%multiple_of3A] : memref<128xf32, #tpu.memory_space<hbm>> -> memref<16xf32, #tpu.memory_space<hbm>>
        %dma_wait3A_54 = arith.constant 0 : i32
        %dma_wait3A_55 = tpu.memref_slice %arg17[%dma_wait3A_54] : memref<16xf32, #tpu.memory_space<vmem>> -> memref<16xf32, #tpu.memory_space<vmem>>
        tpu.wait_dma2 semaphore(%run_scoped3A : memref<!tpu.dma_semaphore, #tpu.memory_space<semaphore_mem>>) src(%dma_wait3A_55 : memref<16xf32, #tpu.memory_space<vmem>>) dst(%dma_wait3A_53 : memref<16xf32, #tpu.memory_space<hbm>>)
        tpu.yield
      }) : () -> ()
    } else {
    }
    return
  }
}

</mosaic_0001>

<sc_bundles>
// kernel: kernel.3.cloned.1.call-start
scs
__scs_entry_jumppad:
0x0: {  	(pc) =	sbr.rel $0x88, $3  }
0x1: {  	(tag) =	ssettag $0x0;
	lr =	simm.s32 $0x1  }
0x2: {  	[smem:$0x3F9B] =	sst lr;
	_ =	strace $0xD0000000  }
0x3: {  	_ = 	snop  }
0x4: {  	_ = 	snop  }
0x5: {  	_ = 	snop  }
0x6: {  	_ = 	snop  }
0x7: {  	_ = 	snop  }
__scs_overlays_trampoline_lowered:
0x8: {  	[smem:$0x3FAA] =	sst s0  }
0x9: {  	[smem:$0x3FAB] =	sst s1  }
0xa: {  	[smem:$0x3FAC] =	sst s2  }
0xb: {  	[smem:$0x3FAD] =	sst s3  }
0xc: {  	[smem:$0x3FAE] =	sst s4  }
0xd: {  	[smem:$0x3FAF] =	sst s5  }
0xe: {  	[smem:$0x3FB0] =	sst s6  }
0xf: {  	[smem:$0x3FB1] =	sst s7  }
0x10: {  	[smem:$0x3FB2] =	sst s8  }
0x11: {  	[smem:$0x3FB3] =	sst s9;
	s0 =	simm.s32 @!p0 $0x0  }
0x12: {  	s1 =	sld [smem:$0x3F99];
	s0 =	simm.s32 @p0 $0x1  }
0x13: {  	[smem:$0x3FB4] =	sst s0;
	s0 =	simm.s32 @!p1 $0x0  }
0x14: {  	s2 =	sld [smem:$0x3F98];
	s0 =	simm.s32 @p1 $0x1  }
0x15: {  	[smem:$0x3FB5] =	sst s0;
	s0 =	simm.s32 @!p2 $0x0  }
0x16: {  	s3 =	sld [smem:$0x3FDB];
	s0 =	simm.s32 @p2 $0x1  }
0x17: {  	s4 =	simm.s32 $0x1BF5;
	[smem:$0x3FB7] =	sst s0  }
0x18: {  	s0 =	sld [smem:$0x3F9A];
	_ =	swait.ge [sflag:s4], $0x0  }
0x19: {  	s7 =	sld [smem:$0x3F9B]  }
0x1a: {  	s8 =	sadd.s32 $0xFFFFE003, lr  }
0x1b: {  	s9 =	sadd.s32 $0xFFFFFEF7, lr;
	s5 =	simm.s32 $0xFFFFFFFF;
	p2 =	slt.u32 s8, $0xFFFFF086  }
0x1c: {  	p1 =	slt.u32 s9, $0xF7A;
	s5 =	simm.s32 @!p2 $0x0  }
0x1d: {  	s5 =	simm.s32 @p1 $0x1;
	p0 =	seq.s32 s7, s2  }
0x1e: {  	s7 =	smul.u32 @!p0 $0xF7A, s2;
	p2 =	seq.s32 @!p0 s5, $0x0  }
0x1f: {  	s9 =	smul.u32 $0xF7A, s1;
	s8 =	simm.s32 @!p0 $0x1BF5;
	p2 =	por !p2, p0  }
0x20: {  	[sflag:s8] =	ssyncset.s32 @!p0 $0xFFFFF086;
	s6 =	sadd.s32 @!p0 s3, s7;
	s7 =	simm.s32 @!p0 $0x108  }
0x21: {  	s3 =	sadd.s32 s3, s9;
	s6 =	sadd.s32 @!p0 $0x88, s6;
	s7 =	simm.s32 @p2 $0x1082  }
0x22: {  	[simem:s7], [sflag:s8] =	dma.local @!p0 [hbm:s6], $0xF7A  }
0x23: {  	s9 =	sor.u32 $0xD0000000, s2;
	s6 =	simm.s32 $0x108;
	_ =	swait.ge @!p0 [sflag:s8], $0x0  }
0x24: {  	s3 =	sadd.s32 $0x88, s3;
	s6 =	simm.s32 @!p1 $0x1082;
	[sflag:s4] =	ssyncset.s32 $0xFFFFF086  }
0x25: {  	[simem:s6], [sflag:s4] =	dma.local [hbm:s3], $0xF7A  }
0x26: {  	[smem:$0x3F9B] =	sst s1;
	(tag) =	ssettag s2;
	_ =	strace s9  }
0x27: {  	s1 =	sld [smem:$0x3FAB]  }
0x28: {  	s2 =	sld [smem:$0x3FAC]  }
0x29: {  	s4 =	sld [smem:$0x3FAE]  }
0x2a: {  	p0 =	seq.s32 s5, $0x0;
	s5 =	sld [smem:$0x3FAF]  }
0x2b: {  	s6 =	sld [smem:$0x3FB0]  }
0x2c: {  	s7 =	sld [smem:$0x3FB1]  }
0x2d: {  	s3 =	simm.s32 $0x108;
	s8 =	sld [smem:$0x3FB2]  }
0x2e: {  	s3 =	simm.s32 @!p0 $0x1082;
	s9 =	sld [smem:$0x3FB3]  }
0x2f: {  	lr =	sadd.s32 s0, s3;
	s0 =	sld [smem:$0x3FAA]  }
0x30: {  	s3 =	sld [smem:$0x3FAD]  }
0x31: {  	[smem:$0x3FB6] =	sst s10  }
0x32: {  	s10 =	sld [smem:$0x3FB4];
	_ =	sdelay $0x3  }
0x33: {  	p0 =	seq.s32 s10, $0x1;
	s10 =	sld [smem:$0x3FB6];
	_ =	sdelay $0x3  }
0x34: {  	[smem:$0x3FB6] =	sst s10  }
0x35: {  	s10 =	sld [smem:$0x3FB5];
	_ =	sdelay $0x3  }
0x36: {  	p1 =	seq.s32 s10, $0x1;
	s10 =	sld [smem:$0x3FB6];
	_ =	sdelay $0x3  }
0x37: {  	[smem:$0x3FB6] =	sst s10  }
0x38: {  	s10 =	sld [smem:$0x3FB7]  }
0x39: {  	_ = 	snop;
	(pc) =	sbr.ind lr, $3  }
0x3a: {  	_ = 	snop  }
0x3b: {  	_ = 	snop  }
0x3c: {  	p2 =	seq.s32 s10, $0x1;
	s10 =	sld [smem:$0x3FB6]  }
0x3d: {  	_ =	shalt  }
0x3e: {  	_ =	shalt  }
0x3f: {  	_ =	shalt  }
0x40: {  	_ =	shalt  }
0x41: {  	_ =	shalt  }
0x42: {  	_ =	shalt  }
0x43: {  	_ =	shalt  }
0x44: {  	_ =	shalt  }
0x45: {  	_ =	shalt  }
0x46: {  	_ =	shalt  }
0x47: {  	_ =	shalt  }
0x48: {  	_ =	shalt  }
0x49: {  	_ =	shalt  }
0x4a: {  	_ =	shalt  }
0x4b: {  	_ =	shalt  }
0x4c: {  	_ =	shalt  }
0x4d: {  	_ =	shalt  }
0x4e: {  	_ =	shalt  }
0x4f: {  	_ =	shalt  }
0x50: {  	_ =	shalt  }
0x51: {  	_ =	shalt  }
0x52: {  	_ =	shalt  }
0x53: {  	_ =	shalt  }
0x54: {  	_ =	shalt  }
0x55: {  	_ =	shalt  }
0x56: {  	_ =	shalt  }
0x57: {  	_ =	shalt  }
0x58: {  	_ =	shalt  }
0x59: {  	_ =	shalt  }
0x5a: {  	_ =	shalt  }
0x5b: {  	_ =	shalt  }
0x5c: {  	_ =	shalt  }
0x5d: {  	_ =	shalt  }
0x5e: {  	_ =	shalt  }
0x5f: {  	_ =	shalt  }
0x60: {  	_ =	shalt  }
0x61: {  	_ =	shalt  }
0x62: {  	_ =	shalt  }
0x63: {  	_ =	shalt  }
0x64: {  	_ =	shalt  }
0x65: {  	_ =	shalt  }
0x66: {  	_ =	shalt  }
0x67: {  	_ =	shalt  }
0x68: {  	_ =	shalt  }
0x69: {  	_ =	shalt  }
0x6a: {  	_ =	shalt  }
0x6b: {  	_ =	shalt  }
0x6c: {  	_ =	shalt  }
0x6d: {  	_ =	shalt  }
0x6e: {  	_ =	shalt  }
0x6f: {  	_ =	shalt  }
0x70: {  	_ =	shalt  }
0x71: {  	_ =	shalt  }
0x72: {  	_ =	shalt  }
0x73: {  	_ =	shalt  }
0x74: {  	_ =	shalt  }
0x75: {  	_ =	shalt  }
0x76: {  	_ =	shalt  }
0x77: {  	_ =	shalt  }
0x78: {  	_ =	shalt  }
0x79: {  	_ =	shalt  }
0x7a: {  	_ =	shalt  }
0x7b: {  	_ =	shalt  }
0x7c: {  	_ =	shalt  }
0x7d: {  	_ =	shalt  }
0x7e: {  	_ =	shalt  }
0x7f: {  	_ =	shalt  }
0x80: {  	_ =	shalt  }
0x81: {  	_ =	shalt  }
0x82: {  	_ =	shalt  }
0x83: {  	_ =	shalt  }
0x84: {  	_ =	shalt  }
0x85: {  	_ =	shalt  }
0x86: {  	_ =	shalt  }
0x87: {  	_ =	shalt  }
.Lfunc_end0:
.L_simem_size_0:
called_computation_lowered:
.L_overlay_start_0:
0x88: {  	s2 =	sld [smem:$0x3FD9]  }
0x89: {  	s3 =	sld [smem:$0x3FFE];
	_ =	sdelay $0x1  }
0x8a: {  	s1 =	srdreg.scid  }
0x8b: {  	s0 =	sand.u32 $0x1, s1  }
0x8c: {  	s18 =	sshll.u32 s0, $0xA;
	s2 =	sadd.s32 s3, s2  }
0x8d: {  	s2 =	sadd.s32 s2, s18  }
0x8e: {  	[smem:$0x3FC2] =	sst s2  }
0x8f: {  	_ = 	snop  }
0x90: {  	s2 =	sld [smem:$0x3FC9]  }
0x91: {  	s19 =	sld [smem:$0x3FC8]  }
0x92: {  	s4 =	sld [smem:$0x3FC7]  }
0x93: {  	s5 =	sld [smem:$0x3FC6]  }
0x94: {  	s6 =	sld [smem:$0x3FC5]  }
0x95: {  	s7 =	sld [smem:$0x3FC4]  }
0x96: {  	s8 =	sld [smem:$0x3FD0];
	(tm) =	ssettm $0x1  }
0x97: {  	s9 =	sld [smem:$0x3FFB];
	_ =	sdelay $0x3  }
0x98: {  	_ =	strace s9  }
0x99: {  	s9 =	sld [smem:$0x3FFC];
	_ =	sdelay $0x3  }
0x9a: {  	_ =	strace s9  }
0x9b: {  	s9 =	sld [smem:$0x3FFD];
	_ =	sdelay $0x3  }
0x9c: {  	_ =	strace s9  }
0x9d: {  	_ =	strace $0x8FFFFFFF  }
0x9e: {  	s20 =	sld [smem:$0x3FDB];
	_ =	sdelay $0x1  }
0x9f: {  	s10 =	simm.s32 $_scs_section_size  }
0xa0: {  	s11 =	simm.s32 $_size__tile_overlayer_lowered;
	s12 =	simm.s32 $_tile_overlayer_lowered  }
0xa1: {  	s23 =	simm.s32 $0x1BFF;
	s22 =	sshll.u32 s12, $0x1;
	s9 =	sadd.s32 s10, s20  }
0xa2: {  	s13 =	simm.s32 $0x0;
	s21 =	sshll.u32 s11, $0x1;
	s11 =	sadd.s32 s22, s9  }
0xa3: {  	[timem:s13], [sflag:s23] =	dma.local [hbm:s11], s21  }
0xa4: {  	_ =	swait.ge [sflag:s23], s21  }
0xa5: {  	s10 =	ssub.s32 $0x0, s21;
	[sflag:s23] =	ssyncset.done $0x0  }
0xa6: {  	[sflag:s23] =	ssyncadd.s32 s10;
	_ =	sdelay $0x1  }
0xa7: {  	s24 =	simm.s32 $0x1B8B  }
0xa8: {  	_ =	swait.ge [sflag:s24], $0x1  }
0xa9: {  	[sflag:s24] =	ssyncset.done $0x0  }
0xaa: {  	s25 =	simm.s32 $0x1B8E;
	[sflag:s24] =	ssyncadd.s32 $0xFFFFFFFF  }
0xab: {  	s26 =	simm.s32 $execute0_lowered;
	[smem:$0x3FD2] =	sst s25  }
0xac: {  	s10 =	sshll.u32 s26, $0x1;
	_ =	strace $0x80000046;
	[dreg:$0x1] =	wrdreg $0xFFFFFFFF  }
0xad: {  	s28 =	simm.s32 $_size_execute0_lowered;
	s9 =	sadd.s32 s9, s10;
	[dreg:$0x0] =	wrdreg $0x0  }
0xae: {  	s10 =	sshll.u32 s28, $0x1;
	[dreg:$0x2] =	wrdreg s9  }
0xaf: {  	[dreg:$0x3] =	wrdreg s10  }
0xb0: {  	[dreg:$0x4] =	wrdreg $0xC0  }
0xb1: {  	_ =	task [dreg:s13], $0x5FFFF  }
0xb2: {  	[dreg:$0x1] =	wrdreg $0xFFFFFFFF  }
0xb3: {  	[dreg:$0x0] =	wrdreg $0x60  }
0xb4: {  	[dreg:$0x2] =	wrdreg s2  }
0xb5: {  	[dreg:$0x3] =	wrdreg s19  }
0xb6: {  	[dreg:$0x4] =	wrdreg s4  }
0xb7: {  	[dreg:$0x5] =	wrdreg s6  }
0xb8: {  	[dreg:$0x6] =	wrdreg s7  }
0xb9: {  	[dreg:$0x7] =	wrdreg s5  }
0xba: {  	[dreg:$0x8] =	wrdreg s8  }
0xbb: {  	[dreg:$0x9] =	wrdreg $0x194000  }
0xbc: {  	[dreg:$0xa] =	wrdreg $0x9  }
0xbd: {  	_ =	task.clear_ibuf [dreg:s13], $0xBFFFF;
	_ =	strace $0x90000046  }
0xbe: {  	s29 =	simm.s32 $0x9;
	_ =	strace $0x80000048  }
0xbf: {  	_ =	swait.ge [sflag:s29], $0x1  }
0xc0: {  	[sflag:s29] =	ssyncadd.s32 $0xFFFFFFFF  }
0xc1: {  	_ =	strace $0x90000048  }
0xc2: {  	_ =	sfence  }
0xc3: {  	s30 =	sld [smem:$0x0];
	_ =	sdelay $0x2  }
0xc4: {  	s31 =	sshll.u32 s1, $0xD;
	s1 =	sshrl.u32 s1, $0x2  }
0xc5: {  	s3 =	sand.u32 $0x4000, s31;
	s1 =	sadd.s32 s1, s30  }
0xc6: {  	s0 =	sor.u32 s3, s0;
	s1 =	sshll.u32 s1, $0x11  }
0xc7: {  	s0 =	sor.u32 s1, s0  }
0xc8: {  	s0 =	sadd.s32 $0x8F2B, s0  }
0xc9: {  	[sflag:s0] =	ssyncadd.remote.s32 $0x1  }
0xca: {  	_ =	sfence.sel $0xFFFF  }
0xcb: {  	[dreg:$0x0] =	wrdreg $0xFFFFFFFF;
	(pc) =	sbr.abs _section_cstart, $3  }
0xcc: {  	[dreg:$0x1] =	wrdreg $0xFFFFFFFF  }
0xcd: {  	_ =	task.clear_ibuf [dreg:s13], $0x2FFFF;
	_ =	strace $0x9FFFFFFF  }
0xce: {  	(tm) =	ssettm $0x7FFFFFFF  }
0xcf: {  	_ =	shalt  }
tec
execute0_lowered:
.L_overlay_start_1:
0x0: {  	(tag) =	ssettag $0x1  }
0x1: {  	s0 =	rddreg [dreg:$0x0]  }
0x2: {  	s1 =	rddreg [dreg:$0x1]  }
0x3: {  	s12 =	rddreg [dreg:$0x3]  }
0x4: {  	s2 =	rddreg [dreg:$0x4]  }
0x5: {  	s3 =	rddreg [dreg:$0x5]  }
0x6: {  	s4 =	rddreg [dreg:$0x6]  }
0x7: {  	s13 =	rddreg [dreg:$0x7]  }
0x8: {  	s5 =	srdreg.scid;
	s6 =	simm.s32 $0x0;
	s16 =	stileid.u32  }
0x9: {  	s28 =	simm.s32 $0x7;
	s29 =	simm.s32 $0x1;
	s30 =	simm.s32 $0x400  }
0xa: {  	s31 =	simm.s32 $0x186C00;
	s5 =	sand.u32 $0x1, s5;
	[smem:$0x7FF] =	sst s6  }
0xb: {  	s8 =	sshll.u32 s16, $0x3;
	s10 =	sshll.u32 s16, $0x4;
	s25 =	sshll.u32 s16, $0x6  }
0xc: {  	p0 =	sgt.u32 s16, $0x3;
	p1 =	sgt.u32 s16, $0xB;
	s20 =	ssub.s32 $0x2, s5  }
0xd: {  	_ =	strace $0x80000047;
	s21 =	sshll.u32 s5, $0x6;
	s9 =	sadd.s32 $0xFFFFFFA0, s8  }
0xe: {  	s11 =	sadd.s32 $0xFFFFFFE0, s8;
	s24 =	sshll.u32 s5, $0x8;
	s5 =	simm.s32 $0x0  }
0xf: {  	s7 =	sshrl.u32 s20, $0x1;
	s22 =	sshrl.u32 s9, $0x3;
	s10 =	sadd.s32 s10, s21  }
0x10: {  	s23 =	sshrl.u32 s11, $0x3;
	s9 =	sadd.s32 s11, s13;
	s21 =	simm.s32 $0x4  }
0x11: {  	s6 =	ssub.s32 s20, s7;
	s7 =	sadd.s32 s1, s22;
	s8 =	sadd.s32 s0, s23  }
.Ltmp0:
0x12: {  	s26 =	sshrl.u32 s10, $0x3;
	s0 =	sadd.s32 s25, s24;
	(pc) =	sbr.rel .LBB2_1-.Ltmp0, $4  }
0x13: {  	s10 =	sadd.s32 $0x30D400, s12;
	s20 =	simm.s32 $0x6;
	s22 =	simm.s32 $0x2  }
0x14: {  	s24 =	simm.s32 $0x3;
	s25 =	simm.s32 $0x5;
	s0 =	sor.u32 $0x800, s0  }
0x15: {  	s11 =	sadd.s32 s2, s26;
	s12 =	sadd.s32 s4, s26;
	s0 =	sshrl.u32 s0, $0x2  }
0x16: {  	v0 =	vimm.f32 $0.0e+00;
	v1 =	vlaneseq.u32;
	s13 =	smax.u32 s6, $0x1;
	s14 =	sadd.s32 $0x15300, s0;
	s15 =	sadd.s32 $0x12300, s0  }
.LBB2_14:
0x17: {  	s5 =	sadd.s32 $0x1, s5  }
0x18: {  	p2 =	sne.s32 s5, s13  }
.Ltmp1:
0x19: {  	_ = 	snop;
	(pc) =	sbr.rel @!p2 .LBB2_15-.Ltmp1, $1  }
0x1a: {  	_ =	sdelay $0x3  }
.LBB2_1:
.Ltmp2:
0x1b: {  	(pc) =	sbr.rel @p0 .LBB2_7-.Ltmp2, $1  }
0x1c: {  	_ =	sdelay $0x3  }
0x1d: {  	s0 =	simm.s32 $0x0;
	s1 =	rddreg [dreg:$0x3];
	s2 =	simm.s32 $0x12300  }
0x1e: {  	[tilespmem:s2], [sflag:$0x3] =	stream.linear.gather [hbm4b:s1+s0], $0x3000, $0x38;
	[tilespmem:$0x19408] =	vst v63  }
0x1f: {  	s18 =	simm.s32 $0x15300  }
0x20: {  	[tilespmem:s18], [sflag:$0x4] =	stream.linear.gather [hbm4b:s10+s0], $0x3F80, $0x38;
	[tilespmem:$0x19408] =	vst v63  }
0x21: {  	s19 =	rddreg [dreg:$0x2];
	s23 =	simm.s32 $0x12200  }
0x22: {  	[tilespmem:s23], [sflag:$0x2] =	stream.linear.gather [hbm4b:s19+s0], $0x80, $0x38;
	[tilespmem:$0x19408] =	vst v63  }
0x23: {  	s26 =	simm.s32 $0x19300  }
0x24: {  	[tilespmem:s26], [sflag:$0x6] =	stream.linear.gather [hbm4b:s11+s0], $0x10, $0x38;
	[tilespmem:$0x19408] =	vst v63  }
0x25: {  	[tilespmem:$0x19280] =	vst v0  }
0x26: {  	[tilespmem:$0x19290] =	vst v0  }
0x27: {  	[tilespmem:$0x192A0] =	vst v0  }
0x28: {  	[tilespmem:$0x192B0] =	vst v0  }
0x29: {  	[tilespmem:$0x192C0] =	vst v0  }
0x2a: {  	[tilespmem:$0x192D0] =	vst v0  }
0x2b: {  	[tilespmem:$0x192E0] =	vst v0  }
0x2c: {  	[tilespmem:$0x192F0] =	vst v0  }
0x2d: {  	_ =	swait.ge [sflag:s20], $0x10  }
0x2e: {  	[sflag:s20] =	ssyncset.done $0x0  }
0x2f: {  	[sflag:s20] =	ssyncadd.s32 $0xFFFFFFF0  }
0x30: {  	v2 =	vld [tilespmem:$0x19300];
	_ =	swait.ge [sflag:s21], $0x3F80  }
0x31: {  	[sflag:s21] =	ssyncset.done $0x0  }
0x32: {  	[sflag:s21] =	ssyncadd.s32 $0xFFFFC080  }
0x33: {  	_ =	swait.ge [sflag:s22], $0x80  }
0x34: {  	[sflag:s22] =	ssyncset.done $0x0  }
0x35: {  	[sflag:s22] =	ssyncadd.s32 $0xFFFFFF80  }
0x36: {  	v9 =	vld [tilespmem:s14+$0xFFFFFE00]  }
0x37: {  	v3 =	vld [tilespmem:s14+$0xFFFFFE80]  }
0x38: {  	v4 =	vld [tilespmem:s14+$0xFFFFFF00]  }
0x39: {  	v5 =	vld [tilespmem:s14+$0xFFFFFF80]  }
0x3a: {  	v6 =	vld [tilespmem:s14+$0x0]  }
0x3b: {  	v7 =	vld [tilespmem:s14+$0x80]  }
0x3c: {  	s4 =	simm.s32 $0x0;
	v8 =	vld [tilespmem:s14+$0x100]  }
0x3d: {  	v10 =	vld.msk [tilespmem:s4+$0x12200 ss:$0x0], $0xffff  }
0x3e: {  	v11 =	vld.msk [tilespmem:s4+$0x12201 ss:$0x0], $0xffff  }
0x3f: {  	v12 =	vld.msk [tilespmem:s4+$0x12202 ss:$0x0], $0xffff  }
0x40: {  	v13 =	vld.msk [tilespmem:s4+$0x12203 ss:$0x0], $0xffff  }
0x41: {  	v14 =	vld.msk [tilespmem:s4+$0x12204 ss:$0x0], $0xffff  }
0x42: {  	v15 =	vld.msk [tilespmem:s4+$0x12205 ss:$0x0], $0xffff  }
0x43: {  	s2 =	simm.s32 $0x20;
	s0 =	smov.u32 s14;
	v16 =	vld.msk [tilespmem:s4+$0x12206 ss:$0x0], $0xffff  }
.LBB2_3:
0x44: {  	p2 =	sne.s32 s2, $0x1E0;
	v17 =	vld.msk [tilespmem:s4+$0x12207 ss:$0x0], $0xffff  }
0x45: {  	v18 =	vld [tilespmem:s0+$0x180];
	s0 =	sadd.s32 $0x400, s0  }
0x46: {  	v19 =	vld [tilespmem:s0+$0xFFFFFE00]  }
0x47: {  	v9 =	vmul.f32 v9, v10;
	v10 =	vmul.f32 v3, v11;
	v3 =	vld [tilespmem:s0+$0xFFFFFE80]  }
0x48: {  	v11 =	vmul.f32 v4, v12;
	v12 =	vmul.f32 v5, v13;
	v4 =	vld [tilespmem:s0+$0xFFFFFF00]  }
0x49: {  	v13 =	vmul.f32 v6, v14;
	v14 =	vmul.f32 v7, v15;
	v5 =	vld [tilespmem:s0+$0xFFFFFF80]  }
0x4a: {  	v15 =	vmul.f32 v8, v16;
	v6 =	vld [tilespmem:s0+$0x0];
	v16 =	vmul.f32 v18, v17  }
0x4b: {  	v12 =	vadd.f32 v12, v11;
	v17 =	vadd.f32 v10, v9;
	v7 =	vld [tilespmem:s0+$0x80];
	v9 =	vmov v19  }
0x4c: {  	s4 =	sshra.s32 s2, $0x2;
	v13 =	vadd.f32 v14, v13;
	v8 =	vld [tilespmem:s0+$0x100];
	v14 =	vadd.f32 v16, v15  }
0x4d: {  	v10 =	vld.msk [tilespmem:s4+$0x12200 ss:$0x0], $0xffff  }
0x4e: {  	v15 =	vadd.f32 v12, v17;
	v11 =	vld.msk [tilespmem:s4+$0x12201 ss:$0x0], $0xffff;
	v14 =	vadd.f32 v14, v13  }
.Ltmp3:
0x4f: {  	v12 =	vld.msk [tilespmem:s4+$0x12202 ss:$0x0], $0xffff;
	(pc) =	sbr.rel @p2 .LBB2_3-.Ltmp3, $4  }
0x50: {  	v13 =	vld.msk [tilespmem:s4+$0x12203 ss:$0x0], $0xffff;
	v16 =	vadd.f32 v14, v15  }
0x51: {  	v14 =	vld.msk [tilespmem:s4+$0x12204 ss:$0x0], $0xffff  }
0x52: {  	v15 =	vld.msk [tilespmem:s4+$0x12205 ss:$0x0], $0xffff;
	v2 =	vadd.f32 v16, v2  }
0x53: {  	s2 =	sadd.s32 $0x20, s2;
	v16 =	vld.msk [tilespmem:s4+$0x12206 ss:$0x0], $0xffff  }
0x54: {  	v17 =	vld.msk [tilespmem:s4+$0x12207 ss:$0x0], $0xffff  }
0x55: {  	v18 =	vld [tilespmem:s0+$0x180];
	_ =	sdelay $0x1  }
0x56: {  	v9 =	vmul.f32 v9, v10;
	v3 =	vmul.f32 v3, v11  }
0x57: {  	v4 =	vmul.f32 v4, v12;
	v5 =	vmul.f32 v5, v13  }
0x58: {  	v6 =	vmul.f32 v6, v14;
	v7 =	vmul.f32 v7, v15  }
0x59: {  	v8 =	vmul.f32 v8, v16;
	v10 =	vmul.f32 v18, v17  }
0x5a: {  	v3 =	vadd.f32 v3, v9;
	v4 =	vadd.f32 v5, v4  }
0x5b: {  	v5 =	vadd.f32 v7, v6;
	v6 =	vadd.f32 v10, v8;
	_ =	sdelay $0x1  }
0x5c: {  	v3 =	vadd.f32 v4, v3;
	v4 =	vadd.f32 v6, v5;
	_ =	sdelay $0x1  }
0x5d: {  	v3 =	vadd.f32 v4, v3;
	_ =	sdelay $0x1  }
0x5e: {  	v2 =	vadd.f32 v3, v2;
	_ =	sdelay $0x1  }
0x5f: {  	[tilespmem:$0x19380] =	vst v2  }
0x60: {  	[bflag:$0x0] =	sbarrier.arrive $0xFFFF  }
0x61: {  	s1 =	simm.s32 $0x12100;
	s26 =	rddreg [dreg:$0x7]  }
0x62: {  	[tilespmem:s1], [sflag:$0x5] =	stream.linear.gather [spmem:s26], $0x80, $0x38;
	[tilespmem:$0x19408] =	vst v63  }
0x63: {  	_ =	swait.ge [sflag:s24], $0x3000  }
0x64: {  	[sflag:s24] =	ssyncset.done $0x0  }
0x65: {  	[sflag:s24] =	ssyncadd.s32 $0xFFFFD000  }
0x66: {  	_ =	swait.ge [sflag:s25], $0x80  }
0x67: {  	[sflag:s25] =	ssyncset.done $0x0  }
0x68: {  	[sflag:s25] =	ssyncadd.s32 $0xFFFFFF80  }
0x69: {  	v2 =	vld [tilespmem:$0x19380]  }
0x6a: {  	v9 =	vld [tilespmem:s15+$0xFFFFFE00]  }
0x6b: {  	v3 =	vld [tilespmem:s15+$0xFFFFFE80]  }
0x6c: {  	v4 =	vld [tilespmem:s15+$0xFFFFFF00]  }
0x6d: {  	v5 =	vld [tilespmem:s15+$0xFFFFFF80]  }
0x6e: {  	v6 =	vld [tilespmem:s15+$0x0]  }
0x6f: {  	v7 =	vld [tilespmem:s15+$0x80]  }
0x70: {  	s4 =	simm.s32 $0x0;
	v8 =	vld [tilespmem:s15+$0x100]  }
0x71: {  	v10 =	vld.msk [tilespmem:s4+$0x12100 ss:$0x0], $0xffff  }
0x72: {  	v11 =	vld.msk [tilespmem:s4+$0x12101 ss:$0x0], $0xffff  }
0x73: {  	v12 =	vld.msk [tilespmem:s4+$0x12102 ss:$0x0], $0xffff  }
0x74: {  	v13 =	vld.msk [tilespmem:s4+$0x12103 ss:$0x0], $0xffff  }
0x75: {  	v14 =	vld.msk [tilespmem:s4+$0x12104 ss:$0x0], $0xffff  }
0x76: {  	v15 =	vld.msk [tilespmem:s4+$0x12105 ss:$0x0], $0xffff  }
0x77: {  	s2 =	simm.s32 $0x20;
	s0 =	smov.u32 s15;
	v16 =	vld.msk [tilespmem:s4+$0x12106 ss:$0x0], $0xffff  }
.LBB2_5:
0x78: {  	p2 =	sne.s32 s2, $0x160;
	v17 =	vld.msk [tilespmem:s4+$0x12107 ss:$0x0], $0xffff  }
0x79: {  	v18 =	vld [tilespmem:s0+$0x180];
	s0 =	sadd.s32 $0x400, s0  }
0x7a: {  	v19 =	vld [tilespmem:s0+$0xFFFFFE00]  }
0x7b: {  	v9 =	vmul.f32 v9, v10;
	v10 =	vmul.f32 v3, v11;
	v3 =	vld [tilespmem:s0+$0xFFFFFE80]  }
0x7c: {  	v11 =	vmul.f32 v4, v12;
	v12 =	vmul.f32 v5, v13;
	v4 =	vld [tilespmem:s0+$0xFFFFFF00]  }
0x7d: {  	v13 =	vmul.f32 v6, v14;
	v14 =	vmul.f32 v7, v15;
	v5 =	vld [tilespmem:s0+$0xFFFFFF80]  }
0x7e: {  	v15 =	vmul.f32 v8, v16;
	v6 =	vld [tilespmem:s0+$0x0];
	v16 =	vmul.f32 v18, v17  }
0x7f: {  	v12 =	vadd.f32 v12, v11;
	v17 =	vadd.f32 v10, v9;
	v7 =	vld [tilespmem:s0+$0x80];
	v9 =	vmov v19  }
0x80: {  	s4 =	sshra.s32 s2, $0x2;
	v13 =	vadd.f32 v14, v13;
	v8 =	vld [tilespmem:s0+$0x100];
	v14 =	vadd.f32 v16, v15  }
0x81: {  	v10 =	vld.msk [tilespmem:s4+$0x12100 ss:$0x0], $0xffff  }
0x82: {  	v15 =	vadd.f32 v12, v17;
	v11 =	vld.msk [tilespmem:s4+$0x12101 ss:$0x0], $0xffff;
	v14 =	vadd.f32 v14, v13  }
.Ltmp4:
0x83: {  	v12 =	vld.msk [tilespmem:s4+$0x12102 ss:$0x0], $0xffff;
	(pc) =	sbr.rel @p2 .LBB2_5-.Ltmp4, $4  }
0x84: {  	v13 =	vld.msk [tilespmem:s4+$0x12103 ss:$0x0], $0xffff;
	v16 =	vadd.f32 v14, v15  }
0x85: {  	v14 =	vld.msk [tilespmem:s4+$0x12104 ss:$0x0], $0xffff  }
0x86: {  	v15 =	vld.msk [tilespmem:s4+$0x12105 ss:$0x0], $0xffff;
	v2 =	vadd.f32 v16, v2  }
0x87: {  	s2 =	sadd.s32 $0x20, s2;
	v16 =	vld.msk [tilespmem:s4+$0x12106 ss:$0x0], $0xffff  }
0x88: {  	v17 =	vld.msk [tilespmem:s4+$0x12107 ss:$0x0], $0xffff  }
0x89: {  	v18 =	vld [tilespmem:s0+$0x180];
	_ =	sdelay $0x1  }
0x8a: {  	v9 =	vmul.f32 v9, v10;
	v3 =	vmul.f32 v3, v11  }
0x8b: {  	v4 =	vmul.f32 v4, v12;
	v5 =	vmul.f32 v5, v13  }
0x8c: {  	v6 =	vmul.f32 v6, v14;
	v7 =	vmul.f32 v7, v15  }
0x8d: {  	v8 =	vmul.f32 v8, v16;
	v60 =	vmul.f32 v18, v17  }
0x8e: {  	v3 =	vadd.f32 v3, v9;
	v4 =	vadd.f32 v5, v4  }
0x8f: {  	v61 =	vadd.f32 v7, v6;
	v62 =	vadd.f32 v60, v8;
	_ =	sdelay $0x1  }
0x90: {  	v3 =	vadd.f32 v4, v3;
	v63 =	vadd.f32 v62, v61;
	_ =	sdelay $0x1  }
0x91: {  	v3 =	vadd.f32 v63, v3;
	_ =	sdelay $0x1  }
0x92: {  	v2 =	vadd.f32 v3, v2;
	_ =	sdelay $0x1  }
0x93: {  	v2 =	vsub.f32 $0.0e+00, v2;
	_ =	sdelay $0x1  }
0x94: {  	v2 =	vmul.f32 $1.442695020e+00, v2;
	_ =	sdelay $0x1  }
0x95: {  	(erf) = vpow2.f32 v2;
	_ =	sdelay $0x8  }
0x96: {  	v2 =	vpop (erf)  }
0x97: {  	v2 =	vadd.f32 $1.000000000e+00, v2;
	_ =	sdelay $0x1  }
0x98: {  	(erf) = vrcp.f32 v2;
	_ =	sdelay $0x8  }
0x99: {  	v2 =	vpop (erf)  }
.Ltmp5:
0x9a: {  	s26 =	simm.s32 $0x0;
	s1 =	simm.s32 $0x19380;
	[tilespmem:$0x19380] =	vst v2;
	(pc) =	sbr.rel .LBB2_14-.Ltmp5, $4  }
0x9b: {  	[hbm4b:s12+s26] =	stream.linear.scatter [tilespmem:s1], [sflag:$0x7], $0x10, $0x38;
	[tilespmem:$0x19408] =	vst v63  }
0x9c: {  	_ =	swait.ge [sflag:s28], $0x10  }
0x9d: {  	[sflag:s28] =	ssyncset.done $0x0  }
0x9e: {  	[sflag:s28] =	ssyncadd.s32 $0xFFFFFFF0  }
.LBB2_7:
0x9f: {  	s0 =	simm.s32 @p1 $0x0  }
0xa0: {  	[tilespmem:s0], [sflag:$0x7] =	stream.linear.gather @p1 [hbm4b:s7+s0], $0x8, $0x38;
	[tilespmem:$0x19408] =	vst v63  }
0xa1: {  	s0 =	simm.s32 @p1 $0x7  }
0xa2: {  	_ =	swait.ge @p1 [sflag:s0], $0x8  }
0xa3: {  	[sflag:s0] =	ssyncset.done @p1 $0x0  }
0xa4: {  	[sflag:s0] =	ssyncadd.s32 @p1 $0xFFFFFFF8  }
0xa5: {  	v2 =	vld @p1 [tilespmem:$0x0];
	_ =	sdelay $0x4  }
0xa6: {  	v2 =	vadd.s32 @p1 $0x186A0, v2  }
0xa7: {  	s0 =	simm.s32 @!p1 $0x0;
	[tilespmem:$0x0] =	vst @p1 v2  }
0xa8: {  	[tilespmem:s0], [sflag:$0x7] =	stream.linear.gather @!p1 [hbm4b:s8+s0], $0x8, $0x38;
	[tilespmem:$0x19408] =	vst v63  }
0xa9: {  	s0 =	simm.s32 @!p1 $0x7  }
0xaa: {  	_ =	swait.ge @!p1 [sflag:s0], $0x8  }
0xab: {  	[sflag:s0] =	ssyncset.done @!p1 $0x0  }
0xac: {  	s17 =	simm.s32 $0x0;
	[sflag:s0] =	ssyncadd.s32 @!p1 $0xFFFFFFF8  }
0xad: {  	v2 =	vld [tilespmem:s17+$0x0];
	_ =	sdelay $0x4  }
0xae: {  	(v2sf) =	vpush v2, $0x0;
	_ =	sdelay $0xe  }
0xaf: {  	s18 =	spop (v2sf)  }
0xb0: {  	s2 =	sand.u32 $0x7F, s18  }
0xb1: {  	s4 =	sshra.s32 s18, $0x1F;
	p2 =	slt.s32 s18, $0x1;
	p3 =	sne.s32 s2, $0x0  }
0xb2: {  	s19 =	sshrl.u32 s4, $0x19;
	p2 =	por !p2, !p3  }
0xb3: {  	s2 =	simm.s32 $0x1;
	s0 =	sadd.s32 s19, s18;
	p2 =	por !p2, !p2  }
0xb4: {  	s0 =	sshrl.u32 s0, $0x7;
	s2 =	simm.s32 @!p2 $0x0  }
0xb5: {  	s0 =	ssub.s32 s0, s2  }
0xb6: {  	s0 =	sshll.u32 s0, $0x7  }
0xb7: {  	s23 =	sand.u32 $0x1FFFFF80, s0  }
0xb8: {  	s26 =	simm.s32 $0x1;
	s0 =	simm.s32 $0x80;
	s2 =	sadd.s32 s3, s23  }
0xb9: {  	[tilespmem:s0], [sflag:$0x1] =	stream.strided.gather [hbm4b:s2+s30], $0x2000, s31, s30, $0x38;
	[tilespmem:$0x19408] =	vst v63  }
0xba: {  	s16 =	simm.s32 $0x80;
	s17 =	simm.s32 $0x8;
	s2 =	simm.s32 $0x0;
	v2 =	vld [tilespmem:s26+$0x0]  }
.LBB2_8:
0xbb: {  	p2 =	sne.s32 s17, $0x1C;
	_ =	sdelay $0x3  }
0xbc: {  	(v2sf) =	vpush v2, $0x0;
	_ =	sdelay $0xe  }
0xbd: {  	s4 =	spop (v2sf)  }
0xbe: {  	s6 =	sand.u32 $0x7F, s4  }
0xbf: {  	s18 =	sshra.s32 s4, $0x1F;
	p3 =	slt.s32 s4, $0x1;
	p4 =	sne.s32 s6, $0x0  }
0xc0: {  	s6 =	sshrl.u32 s18, $0x19;
	p3 =	por !p3, !p4  }
0xc1: {  	s4 =	sadd.s32 s6, s4;
	s6 =	simm.s32 $0x1;
	p3 =	por !p3, !p3  }
0xc2: {  	s4 =	sshrl.u32 s4, $0x7;
	s6 =	simm.s32 @!p3 $0x0  }
0xc3: {  	s4 =	ssub.s32 s4, s6  }
.Ltmp6:
0xc4: {  	s4 =	sshll.u32 s4, $0x7;
	(pc) =	sbr.rel @p2 .LBB2_8-.Ltmp6, $4  }
0xc5: {  	s4 =	sand.u32 $0x1FFFFF80, s4  }
0xc6: {  	s16 =	sadd.s32 $0x2400, s16;
	s6 =	sshra.s32 s17, $0x2;
	s4 =	sadd.s32 s3, s4  }
0xc7: {  	[tilespmem:s16], [sflag:$0x1] =	stream.strided.gather [hbm4b:s4+s30], $0x2000, s31, s30, $0x38;
	[tilespmem:$0x19408] =	vst v63  }
0xc8: {  	s17 =	sadd.s32 $0x4, s17;
	v2 =	vld [tilespmem:s6+$0x0]  }
0xc9: {  	_ =	sdelay $0x3  }
0xca: {  	(v2sf) =	vpush v2, $0x0;
	_ =	sdelay $0xe  }
0xcb: {  	s4 =	spop (v2sf)  }
0xcc: {  	s6 =	sand.u32 $0x7F, s4  }
0xcd: {  	s17 =	sshra.s32 s4, $0x1F;
	p2 =	slt.s32 s4, $0x1;
	p3 =	sne.s32 s6, $0x0  }
0xce: {  	s23 =	sshrl.u32 s17, $0x19;
	p2 =	por !p2, !p3  }
0xcf: {  	s6 =	simm.s32 $0x1;
	s4 =	sadd.s32 s23, s4;
	p2 =	por !p2, !p2  }
0xd0: {  	s4 =	sshrl.u32 s4, $0x7;
	s6 =	simm.s32 @!p2 $0x0  }
0xd1: {  	s4 =	ssub.s32 s4, s6  }
0xd2: {  	s4 =	sshll.u32 s4, $0x7  }
0xd3: {  	s4 =	sand.u32 $0x1FFFFF80, s4  }
0xd4: {  	s26 =	sadd.s32 $0x2400, s16;
	s4 =	sadd.s32 s3, s4  }
0xd5: {  	v2 =	vimm.f32 $0.0e+00;
	[tilespmem:s26], [sflag:$0x1] =	stream.strided.gather [hbm4b:s4+s30], $0x2000, s31, s30, $0x38;
	[tilespmem:$0x19408] =	vst v63  }
.LBB2_10:
0xd6: {  	v3 =	vld [tilespmem:s2+$0x0];
	_ =	sdelay $0x4  }
0xd7: {  	(v2sf) =	vpush v3, $0x0;
	_ =	sdelay $0xe  }
0xd8: {  	s4 =	spop (v2sf)  }
0xd9: {  	s6 =	sand.u32 $0x7F, s4  }
0xda: {  	s16 =	sshra.s32 s4, $0x1F;
	p2 =	slt.s32 s4, $0x1;
	p3 =	sne.s32 s6, $0x0  }
0xdb: {  	s16 =	sshrl.u32 s16, $0x19;
	p2 =	por !p2, !p3  }
0xdc: {  	s17 =	simm.s32 $0x1;
	s16 =	sadd.s32 s16, s4;
	p2 =	por !p2, !p2  }
0xdd: {  	s16 =	sshrl.u32 s16, $0x7;
	s17 =	simm.s32 @!p2 $0x0  }
0xde: {  	s16 =	ssub.s32 s17, s16  }
0xdf: {  	s16 =	sshll.u32 s16, $0x7  }
0xe0: {  	s4 =	sadd.s32 s4, s16  }
0xe1: {  	s4 =	sshll.u32 s4, $0x2  }
0xe2: {  	s6 =	sshll.u32 s6, $0x2;
	s4 =	sand.u32 $0xFFFFFE00, s4  }
0xe3: {  	s4 =	sor.u32 s6, s4  }
0xe4: {  	s4 =	sshra.s32 s4, $0x2  }
0xe5: {  	s4 =	sadd.s32 s4, s0  }
0xe6: {  	v3 =	vmov s4;
	_ =	sdelay $0x1  }
0xe7: {  	_ =	swait.ge [sflag:s29], $0x2000  }
0xe8: {  	[sflag:s29] =	ssyncset.done $0x0  }
0xe9: {  	s1 =	simm.s32 $0x0;
	[sflag:s29] =	ssyncadd.s32 $0xFFFFE000  }
0xea: {  	v4 =	vld.idx.msk [tilespmem:v3+s1+$0x0 ss:$0x1], $0xffff  }
0xeb: {  	v5 =	vld.idx.msk [tilespmem:v3+s1+$0x80 ss:$0x1], $0xffff  }
0xec: {  	v6 =	vld.idx.msk [tilespmem:v3+s1+$0x100 ss:$0x1], $0xffff  }
0xed: {  	v7 =	vld.idx.msk [tilespmem:v3+s1+$0x180 ss:$0x1], $0xffff  }
0xee: {  	v8 =	vld.idx.msk [tilespmem:v3+s1+$0x200 ss:$0x1], $0xffff  }
0xef: {  	v9 =	vld.idx.msk [tilespmem:v3+s1+$0x280 ss:$0x1], $0xffff;
	(v2sf) =	vpush v4, $0x0  }
0xf0: {  	(v2sf) =	vpush v5, $0x0  }
0xf1: {  	v4 =	vld.idx.msk [tilespmem:v3+s1+$0x300 ss:$0x1], $0xffff;
	(v2sf) =	vpush v6, $0x0  }
0xf2: {  	s6 =	simm.s32 $0x400;
	v5 =	vld.idx.msk [tilespmem:v3+s1+$0x380 ss:$0x1], $0xffff;
	(v2sf) =	vpush v7, $0x0  }
0xf3: {  	v6 =	vld.idx.msk [tilespmem:v3+s6+$0x0 ss:$0x1], $0xffff;
	(v2sf) =	vpush v8, $0x0  }
0xf4: {  	v7 =	vld.idx.msk [tilespmem:v3+s6+$0x80 ss:$0x1], $0xffff;
	(v2sf) =	vpush v9, $0x0  }
0xf5: {  	v8 =	vld.idx.msk [tilespmem:v3+s6+$0x100 ss:$0x1], $0xffff  }
0xf6: {  	(v2sf) =	vpush v4, $0x0  }
0xf7: {  	v4 =	vld.idx.msk [tilespmem:v3+s6+$0x180 ss:$0x1], $0xffff;
	(v2sf) =	vpush v5, $0x0  }
0xf8: {  	v5 =	vld.idx.msk [tilespmem:v3+s6+$0x200 ss:$0x1], $0xffff;
	(v2sf) =	vpush v6, $0x0  }
0xf9: {  	v6 =	vld.idx.msk [tilespmem:v3+s6+$0x280 ss:$0x1], $0xffff;
	(v2sf) =	vpush v7, $0x0  }
0xfa: {  	v7 =	vld.idx.msk [tilespmem:v3+s6+$0x300 ss:$0x1], $0xffff;
	(v2sf) =	vpush v8, $0x0  }
0xfb: {  	s16 =	simm.s32 $0x800;
	v8 =	vld.idx.msk [tilespmem:v3+s6+$0x380 ss:$0x1], $0xffff  }
0xfc: {  	(v2sf) =	vpush v4, $0x0;
	v4 =	vld.idx.msk [tilespmem:v3+s16+$0x0 ss:$0x1], $0xffff  }
0xfd: {  	v9 =	vld.idx.msk [tilespmem:v3+s16+$0x80 ss:$0x1], $0xffff;
	(v2sf) =	vpush v5, $0x0  }
0xfe: {  	v5 =	vld.idx.msk [tilespmem:v3+s16+$0x100 ss:$0x1], $0xffff;
	s17 =	spop (v2sf);
	(v2sf) =	vpush v6, $0x0  }
0xff: {  	v6 =	vld.idx.msk [tilespmem:v3+s16+$0x180 ss:$0x1], $0xffff;
	s26 =	spop (v2sf);
	(v2sf) =	vpush v7, $0x0  }
0x100: {  	v7 =	vld.idx.msk [tilespmem:v3+s16+$0x200 ss:$0x1], $0xffff;
	s18 =	spop (v2sf);
	(v2sf) =	vpush v8, $0x0  }
0x101: {  	v8 =	vld.idx.msk [tilespmem:v3+s16+$0x280 ss:$0x1], $0xffff;
	s19 =	spop (v2sf);
	(v2sf) =	vpush v4, $0x0  }
0x102: {  	v10 =	vld.idx.msk [tilespmem:v3+s16+$0x300 ss:$0x1], $0xffff;
	s23 =	spop (v2sf);
	(v2sf) =	vpush v9, $0x0  }
0x103: {  	v11 =	vld.idx.msk [tilespmem:v3+s16+$0x380 ss:$0x1], $0xffff;
	s6 =	sadd.f32 s26, s17;
	s17 =	simm.s32 $0xC00;
	s1 =	spop (v2sf);
	(v2sf) =	vpush v5, $0x0  }
0x104: {  	v12 =	vld.idx.msk [tilespmem:v3+s17+$0x0 ss:$0x1], $0xffff;
	(v2sf) =	vpush v6, $0x0  }
0x105: {  	s16 =	sadd.f32 s19, s18;
	s19 =	spop (v2sf);
	(v2sf) =	vpush v7, $0x0  }
0x106: {  	s26 =	spop (v2sf);
	(v2sf) =	vpush v8, $0x0  }
0x107: {  	s4 =	spop (v2sf);
	(v2sf) =	vpush v10, $0x0  }
0x108: {  	s1 =	sadd.f32 s1, s23;
	s23 =	spop (v2sf);
	(v2sf) =	vpush v11, $0x0  }
0x109: {  	s18 =	sadd.f32 s26, s19;
	s19 =	spop (v2sf);
	(v2sf) =	vpush v12, $0x0  }
0x10a: {  	v4 =	vld.idx.msk [tilespmem:v3+s17+$0x80 ss:$0x1], $0xffff  }
0x10b: {  	v9 =	vld.idx.msk [tilespmem:v3+s17+$0x280 ss:$0x1], $0xffff  }
0x10c: {  	v5 =	vld.idx.msk [tilespmem:v3+s17+$0x100 ss:$0x1], $0xffff;
	s6 =	sadd.f32 s16, s6  }
0x10d: {  	v6 =	vld.idx.msk [tilespmem:v3+s17+$0x180 ss:$0x1], $0xffff;
	s1 =	sadd.f32 s18, s1  }
0x10e: {  	s16 =	simm.f32 $0.0e+00;
	v7 =	vld.idx.msk [tilespmem:v3+s17+$0x200 ss:$0x1], $0xffff  }
0x10f: {  	v8 =	vld.idx.msk [tilespmem:v3+s17+$0x300 ss:$0x1], $0xffff;
	s18 =	simm.s32 $0x4000;
	s26 =	spop (v2sf);
	s6 =	sadd.f32 s1, s6  }
.LBB2_11:
0x110: {  	p2 =	sne.s32 s18, $0x7000;
	v10 =	vld.idx.msk [tilespmem:v3+s17+$0x380 ss:$0x1], $0xffff;
	(v2sf) =	vpush v4, $0x0;
	s1 =	sadd.f32 s23, s4;
	s4 =	spop (v2sf)  }
0x111: {  	s17 =	sshra.s32 s18, $0x2;
	(v2sf) =	vpush v5, $0x0;
	s23 =	spop (v2sf);
	s16 =	sadd.f32 s6, s16  }
0x112: {  	s6 =	sadd.f32 s26, s19;
	v11 =	vld.idx.msk [tilespmem:v3+s17+$0x0 ss:$0x1], $0xffff;
	(v2sf) =	vpush v6, $0x0;
	s19 =	spop (v2sf)  }
0x113: {  	s26 =	sadd.f32 s23, s4;
	v4 =	vld.idx.msk [tilespmem:v3+s17+$0x80 ss:$0x1], $0xffff;
	(v2sf) =	vpush v7, $0x0;
	s4 =	spop (v2sf)  }
.Ltmp7:
0x114: {  	v5 =	vld.idx.msk [tilespmem:v3+s17+$0x100 ss:$0x1], $0xffff;
	(v2sf) =	vpush v9, $0x0;
	s19 =	sadd.f32 s4, s19;
	(pc) =	sbr.rel @p2 .LBB2_11-.Ltmp7, $4  }
0x115: {  	s1 =	sadd.f32 s6, s1;
	v6 =	vld.idx.msk [tilespmem:v3+s17+$0x180 ss:$0x1], $0xffff;
	(v2sf) =	vpush v8, $0x0;
	s4 =	spop (v2sf)  }
0x116: {  	v7 =	vld.idx.msk [tilespmem:v3+s17+$0x200 ss:$0x1], $0xffff;
	(v2sf) =	vpush v10, $0x0;
	s23 =	spop (v2sf);
	s6 =	sadd.f32 s19, s26  }
0x117: {  	v9 =	vld.idx.msk [tilespmem:v3+s17+$0x280 ss:$0x1], $0xffff;
	s19 =	spop (v2sf)  }
0x118: {  	s18 =	sadd.s32 $0x1000, s18;
	v8 =	vld.idx.msk [tilespmem:v3+s17+$0x300 ss:$0x1], $0xffff;
	(v2sf) =	vpush v11, $0x0;
	s26 =	spop (v2sf);
	s6 =	sadd.f32 s6, s1  }
0x119: {  	_ =	sdelay $0x2  }
0x11a: {  	(v2sf) =	vpush v4, $0x0  }
0x11b: {  	v3 =	vld.idx.msk [tilespmem:v3+s17+$0x380 ss:$0x1], $0xffff;
	(v2sf) =	vpush v5, $0x0  }
0x11c: {  	s1 =	spop (v2sf);
	(v2sf) =	vpush v6, $0x0  }
0x11d: {  	s4 =	sadd.f32 s23, s4;
	s23 =	spop (v2sf);
	(v2sf) =	vpush v7, $0x0  }
0x11e: {  	s18 =	sadd.f32 s26, s19;
	s26 =	spop (v2sf);
	(v2sf) =	vpush v9, $0x0  }
0x11f: {  	s1 =	sadd.f32 s23, s1;
	s23 =	spop (v2sf);
	(v2sf) =	vpush v8, $0x0  }
0x120: {  	s17 =	sadd.f32 s23, s26;
	s19 =	spop (v2sf);
	(v2sf) =	vpush v3, $0x0  }
0x121: {  	s4 =	sadd.f32 s18, s4;
	s26 =	spop (v2sf)  }
0x122: {  	s1 =	sadd.f32 s17, s1;
	s17 =	spop (v2sf)  }
0x123: {  	s6 =	sadd.f32 s6, s16;
	s23 =	spop (v2sf)  }
0x124: {  	s1 =	sadd.f32 s1, s4;
	s4 =	spop (v2sf)  }
0x125: {  	s18 =	sadd.f32 s26, s19;
	s26 =	spop (v2sf)  }
0x126: {  	s16 =	sadd.f32 s23, s17;
	s23 =	spop (v2sf)  }
0x127: {  	s4 =	sadd.f32 s26, s4;
	s26 =	spop (v2sf)  }
0x128: {  	s17 =	sadd.f32 s26, s23;
	s19 =	spop (v2sf)  }
0x129: {  	s16 =	sadd.f32 s16, s18;
	s23 =	spop (v2sf)  }
0x12a: {  	s4 =	sadd.f32 s17, s4;
	s17 =	spop (v2sf)  }
0x12b: {  	s1 =	sadd.f32 s1, s6;
	s26 =	spop (v2sf)  }
0x12c: {  	s4 =	sadd.f32 s4, s16;
	s16 =	spop (v2sf)  }
0x12d: {  	s18 =	sadd.f32 s23, s19;
	s23 =	spop (v2sf)  }
0x12e: {  	s6 =	sadd.f32 s26, s17;
	s26 =	spop (v2sf)  }
0x12f: {  	s16 =	sadd.f32 s23, s16;
	s23 =	spop (v2sf)  }
0x130: {  	s17 =	sadd.f32 s23, s26  }
0x131: {  	s6 =	sadd.f32 s6, s18  }
0x132: {  	v3 =	vmov s2;
	s2 =	sadd.s32 $0x1, s2;
	s16 =	sadd.f32 s17, s16  }
0x133: {  	p2 =	sne.s32 s2, $0x8;
	s1 =	sadd.f32 s4, s1  }
.Ltmp8:
0x134: {  	s26 =	sadd.f32 s16, s6;
	(pc) =	sbr.rel @p2 .LBB2_10-.Ltmp8, $4  }
0x135: {  	_ = 	snop  }
0x136: {  	s1 =	sadd.f32 s26, s1  }
0x137: {  	vm0 =	veq.s32 v3, v1  }
0x138: {  	s0 =	sadd.s32 $0x2400, s0;
	v2 =	vsel vm0, s1, v2  }
0x139: {  	[tilespmem:$0x12080] =	vst v2;
	s0 =	simm.s32 $0x12080  }
0x13a: {  	[spmem:s9] =	stream.linear.scatter [tilespmem:s0], [sflag:$0x7], $0x8, $0x38;
	[tilespmem:$0x19408] =	vst v63  }
.Ltmp9:
0x13b: {  	_ =	swait.ge [sflag:s28], $0x8;
	(pc) =	sbr.rel .LBB2_14-.Ltmp9, $3  }
0x13c: {  	[sflag:s28] =	ssyncset.done $0x0  }
0x13d: {  	[sflag:s28] =	ssyncadd.s32 $0xFFFFFFF8  }
0x13e: {  	[bflag:$0x0] =	sbarrier.arrive $0xFFFF;
	_ =	sdelay $0x1  }
.LBB2_15:
0x13f: {  	_ =	sfence.sel $0x180000  }
0x140: {  	[bflag:$0x0] =	sbarrier.arrive $0xFFFF  }
0x141: {  	_ =	strace $0x90000047  }
0x142: {  	s0 =	stileid.u32;
	[bflag:$0x2] =	sbarrier.arrive $0xFFFF  }
0x143: {  	p0 =	sne.s32 s0, $0x0;
	s0 =	rddreg [dreg:$0x8]  }
0x144: {  	s0 =	sadd.s32 @!p0 $0x100000, s0  }
0x145: {  	[sflag:s0] =	ssyncadd.tile.s32 @!p0 $0x1;
	_ =	shalt  }
.Lfunc_end2:
_tile_overlayer_lowered:
.L_overlay_start_2:
0x146: {  	(tag) =	ssettag $0x2  }
0x147: {  	s0 =	rddreg [dreg:$0x0];
	s2 =	stileid.u32  }
0x148: {  	s1 =	rddreg [dreg:$0x1];
	p0 =	sne.s32 s2, $0x0  }
0x149: {  	s3 =	rddreg [dreg:$0x2];
	[bflag:$0x3] =	sbarrier.arrive $0xFFFF;
	s2 =	simm.s32 @!p0 $0x1C07  }
0x14a: {  	[timem:s3], [sflag:s2] =	dma.local @!p0 [hbm:s0], s1  }
0x14b: {  	s0 =	simm.s32 @!p0 $0x7  }
0x14c: {  	_ =	swait.ge @!p0 [sflag:s0], s1  }
0x14d: {  	s1 =	ssub.s32 @!p0 $0x0, s1;
	[sflag:s0] =	ssyncset.done @!p0 $0x0  }
0x14e: {  	[sflag:s0] =	ssyncadd.s32 @!p0 s1  }
0x14f: {  	[bflag:$0x3] =	sbarrier.arrive $0xFFFF  }
0x150: {  	_ =	shalt  }

</sc_bundles>
